<compile_context>
chip_gen: v7x
topology: tpu7x:2x2x1
jax: 0.10.2.dev20260603
libtpu: 0.0.44.dev20260713+nightly
codegen_flags: <defaults>
</compile_context>

<pallas_src>
from functools import lru_cache

import numpy as np
import jax
import jax.numpy as jnp
from jax import lax
from jax.experimental import pallas as pl
from jax.experimental.pallas import tpu as pltpu
from jax.experimental.pallas import tpu_sc as plsc

_TEMPERATURE = 0.07
_NA = 256
_NN = 512
_HW = 1024
_B = 16
_NCHUNK = _HW // 16
_PER_STEP = 4


def _rotl(x, d):
    return ((x << np.uint32(d)) | (x >> np.uint32(32 - d))).astype(np.uint32)


def _threefry2x32(k0, k1, c0, c1):
    ks0 = np.uint32(k0)
    ks1 = np.uint32(k1)
    ks2 = np.uint32(ks0 ^ ks1 ^ np.uint32(0x1BD11BDA))
    x0 = (c0 + ks0).astype(np.uint32)
    x1 = (c1 + ks1).astype(np.uint32)
    rot = ((13, 15, 26, 6), (17, 29, 16, 24))
    ks = (ks0, ks1, ks2)
    for i in range(5):
        for r in rot[i % 2]:
            x0 = (x0 + x1).astype(np.uint32)
            x1 = _rotl(x1, r)
            x1 = (x1 ^ x0).astype(np.uint32)
        s = i + 1
        x0 = (x0 + ks[s % 3]).astype(np.uint32)
        x1 = (x1 + ks[(s + 1) % 3] + np.uint32(s)).astype(np.uint32)
    return x0, x1


def _tf_child(k, i):
    x0, x1 = _threefry2x32(k[0], k[1], np.zeros_like(i), i.astype(np.uint32))
    return np.stack([x0, x1], axis=-1)


def _tf_bits(k, n):
    i = np.arange(n, dtype=np.uint32)
    x0, x1 = _threefry2x32(k[0], k[1], np.zeros(n, np.uint32), i)
    return (x0 ^ x1).astype(np.uint32)


@lru_cache(maxsize=1)
def _rand_bits():
    skey = np.array([0, 42], dtype=np.uint32)
    his, los = [], []
    for b in range(_B):
        kb = _tf_child(skey, np.uint32(b))
        ka, kp, kn = _tf_child(kb, np.arange(3))
        for k, n in ((ka, _NA), (kp, _NA), (kn, _NN)):
            hk, lk = _tf_child(k, np.arange(2))
            his.append(_tf_bits(hk, n))
            los.append(_tf_bits(lk, n))
    hi = np.concatenate(his).reshape(2 * _B, _NN)
    lo = np.concatenate(los).reshape(2 * _B, _NN)
    return hi, lo


def _sample_kernel(mask_hbm, hi_hbm, lo_hbm, out_hbm,
                   mask_v, hi_v, lo_v, cand_v, idx_v):
    wid = lax.axis_index("s") * 2 + lax.axis_index("c")
    b = wid // 2
    is_fg = (wid % 2) == 0

    pltpu.sync_copy(mask_hbm.at[b], mask_v)
    pltpu.sync_copy(hi_hbm.at[wid], hi_v)
    pltpu.sync_copy(lo_hbm.at[wid], lo_v)

    isfg_v = jnp.full((16,), is_fg, jnp.bool_)

    def body1(j, nf):
        m = mask_v[pl.ds(j * 16, 16)]
        cf = m > 0.5
        ci = cf.astype(jnp.int32)
        inc = plsc.cumsum(ci)
        pix = lax.iota(jnp.int32, 16) + jnp.full((16,), j * 16, jnp.int32)
        fg_rank = (inc - ci) + jnp.full((16,), nf, jnp.int32)
        bg_rank = pix - fg_rank
        rank = jnp.where(isfg_v, fg_rank, bg_rank)
        sel = jnp.logical_xor(cf, jnp.logical_not(isfg_v))
        plsc.store_scatter(cand_v, [rank], pix, mask=sel)
        return nf + jnp.sum(ci)

    num_f = lax.fori_loop(0, _NCHUNK, body1, jnp.int32(0))
    count = jnp.where(is_fg, num_f, _HW - num_f)
    span_v = jnp.maximum(jnp.full((16,), count, jnp.int32),
                         jnp.full((16,), 1, jnp.int32)).astype(jnp.uint32)
    empty_v = jnp.full((16,), count == 0, jnp.bool_)
    zero_v = jnp.full((16,), 0, jnp.int32)

    mult_v = jnp.full((16,), 65536, jnp.uint32) % span_v
    mult_v = (mult_v * mult_v) % span_v

    def body2(j, carry):
        hi = hi_v[pl.ds(j * 16, 16)]
        lo = lo_v[pl.ds(j * 16, 16)]
        d = ((hi % span_v) * mult_v + lo % span_v) % span_v
        g = plsc.load_gather(cand_v, [d.astype(jnp.int32)])
        idx_v[pl.ds(j * 16, 16)] = jnp.where(empty_v, zero_v, g)
        return carry

    lax.fori_loop(0, _NN // 16, body2, jnp.int32(0))
    pltpu.sync_copy(idx_v, out_hbm.at[wid])


def _sample_indices(masks):
    hi, lo = _rand_bits()
    k = pl.kernel(
        _sample_kernel,
        mesh=plsc.VectorSubcoreMesh(core_axis_name="c", subcore_axis_name="s"),
        out_type=jax.ShapeDtypeStruct((2 * _B, _NN), jnp.int32),
        scratch_types=[
            pltpu.VMEM((_HW,), jnp.float32),
            pltpu.VMEM((_NN,), jnp.uint32),
            pltpu.VMEM((_NN,), jnp.uint32),
            pltpu.VMEM((_HW,), jnp.int32),
            pltpu.VMEM((_NN,), jnp.int32),
        ],
        compiler_params=pltpu.CompilerParams(needs_layout_passes=False),
    )
    return k(masks.reshape(_B, _HW), jnp.asarray(hi), jnp.asarray(lo))


def _loss_kernel(x_ref, idx_ref, w1_ref, b1_ref, w2_ref, b2_ref,
                 out_ref, acc_ref):
    b = pl.program_id(0)

    @pl.when(b == 0)
    def _():
        acc_ref[0] = 0.0
        acc_ref[1] = 0.0

    for t in range(_PER_STEP):
        x = x_ref[t]
        idx = idx_ref[t].astype(jnp.float32)

        h = jnp.dot(w1_ref[...], x, preferred_element_type=jnp.float32) + b1_ref[...]
        h = 0.5 * h * (1.0 + lax.erf(h * np.float32(1.0 / np.sqrt(2.0))))
        p = jnp.dot(w2_ref[...], h, preferred_element_type=jnp.float32) + b2_ref[...]
        nrm = jnp.sqrt(jnp.sum(p * p, axis=0, keepdims=True))
        p = p / jnp.maximum(nrm, 1e-12)

        iota_col = lax.broadcasted_iota(jnp.int32, (_HW, 1), 0).astype(jnp.float32)
        eq = (iota_col == idx).astype(jnp.float32)
        g = jnp.dot(p, eq, preferred_element_type=jnp.float32)
        a = g[:, :_NA]
        pp = g[:, _NA:2 * _NA]
        n = g[:, 2 * _NA:]

        inv_t = np.float32(1.0 / _TEMPERATURE)
        pos = jnp.sum(a * pp, axis=0, keepdims=True) * inv_t
        negt = lax.dot_general(n, a, (((0,), (0,)), ((), ())),
                               preferred_element_type=jnp.float32) * inv_t
        m = jnp.maximum(jnp.max(negt, axis=0, keepdims=True), pos)
        se = jnp.sum(jnp.exp(negt - m), axis=0, keepdims=True) + jnp.exp(pos - m)
        ce = jnp.mean(m + jnp.log(se) - pos)

        valid = (jnp.sum(idx[:, :_NA]) > 0.0).astype(jnp.float32)

        acc_ref[0] += valid * ce
        acc_ref[1] += valid

    @pl.when(b == _B // _PER_STEP - 1)
    def _():
        out_ref[0] = acc_ref[0] / jnp.maximum(acc_ref[1], 1.0)


def kernel(features, masks, w1, b1, w2, b2):
    x = features.reshape(_B, features.shape[1], _HW)
    idx = _sample_indices(masks).reshape(_B, 1, _HW)
    b1c = b1.reshape(-1, 1)
    b2c = b2.reshape(-1, 1)

    full = lambda *shape: pl.BlockSpec(shape, lambda b: (0,) * len(shape))

    out = pl.pallas_call(
        _loss_kernel,
        grid=(_B // _PER_STEP,),
        in_specs=[
            pl.BlockSpec((_PER_STEP, x.shape[1], _HW), lambda b: (b, 0, 0)),
            pl.BlockSpec((_PER_STEP, 1, _HW), lambda b: (b, 0, 0)),
            full(*w1.shape),
            full(*b1c.shape),
            full(*w2.shape),
            full(*b2c.shape),
        ],
        out_specs=pl.BlockSpec(memory_space=pltpu.MemorySpace.SMEM),
        out_shape=jax.ShapeDtypeStruct((1,), jnp.float32),
        scratch_shapes=[pltpu.SMEM((2,), jnp.float32)],
        compiler_params=pltpu.CompilerParams(
            dimension_semantics=("arbitrary",),
            vmem_limit_bytes=100 * 1024 * 1024),
    )(x, idx, w1, b1c, w2, b2c)
    return out.reshape(())

# --- scband reference (transcript-rebuilt; emitter-appended) ---
"""Pipeline reference for scband-pixel-contrastive-loss-70231305224517 (READ-ONLY COPY).

The authoritative reference and input builder live on the scoring server;
editing this copy changes nothing except your own understanding.
"""

import jax, jax.numpy as jnp
import numpy as np

TEMPERATURE = 0.07
NUM_ANCHOR = 256
NUM_NEGATIVE = 512
PROJ_DIM = 128
FEAT_DIM = 384


def setup_inputs(seed: int = 0) -> dict:
    key = jax.random.key(seed)
    k1, k2, k3, k4 = jax.random.split(key, 4)
    features = jax.random.normal(k1, (16, FEAT_DIM, 32, 32), dtype=jnp.float32)
    masks = jax.random.uniform(k2, (16, 1, 32, 32), dtype=jnp.float32)
    # projector params: Conv2d(feat,feat,1) -> GELU -> Conv2d(feat,proj,1)
    w1 = jax.random.normal(k3, (FEAT_DIM, FEAT_DIM), dtype=jnp.float32) * 0.05
    b1 = jnp.zeros((FEAT_DIM,), dtype=jnp.float32)
    w2 = jax.random.normal(k4, (PROJ_DIM, FEAT_DIM), dtype=jnp.float32) * 0.05
    b2 = jnp.zeros((PROJ_DIM,), dtype=jnp.float32)
    return {"features": features, "masks": masks, "w1": w1, "b1": b1, "w2": w2, "b2": b2}


def _sample_pixels(key, flat_mask, n, fg):
    if fg:
        cond = flat_mask > 0.5
    else:
        cond = flat_mask <= 0.5
    size = flat_mask.shape[0]
    num = jnp.sum(cond).astype(jnp.int32)
    cand = jnp.sort(jnp.where(cond, jnp.arange(size, dtype=jnp.int32), size))
    idx = jax.random.randint(key, (n,), 0, jnp.maximum(num, 1))
    picked = cand[idx]
    return jnp.where(num > 0, picked, jnp.zeros((n,), dtype=jnp.int32))


def reference(features, masks, w1, b1, w2, b2):
    # projector: 1x1 conv -> exact GELU -> 1x1 conv
    x = jnp.einsum('bchw,oc->bohw', features, w1) + b1[None, :, None, None]
    x = jax.nn.gelu(x, approximate=False)
    proj = jnp.einsum('bchw,oc->bohw', x, w2) + b2[None, :, None, None]
    # F.normalize over channel dim
    nrm = jnp.sqrt(jnp.sum(proj * proj, axis=1, keepdims=True))
    proj = proj / jnp.maximum(nrm, 1e-12)
    B, C, H, W = proj.shape
    skey = jax.random.key(42)
    loss = jnp.asarray(0.0, dtype=jnp.float32)
    count = jnp.asarray(0, dtype=jnp.int32)
    for b in range(B):
        feat = proj[b]
        msk = masks[b, 0]
        flat_feat = feat.reshape(C, H * W).T  # (HW, C)
        flat_msk = msk.flatten()
        ka, kp, kn = jax.random.split(jax.random.fold_in(skey, b), 3)
        anchor_idx = _sample_pixels(ka, flat_msk, NUM_ANCHOR, True)
        valid = jnp.sum(anchor_idx) != 0
        anchors = flat_feat[anchor_idx]
        pos_idx = _sample_pixels(kp, flat_msk, NUM_ANCHOR, True)
        positives = flat_feat[pos_idx]
        neg_idx = _sample_pixels(kn, flat_msk, NUM_NEGATIVE, False)
        negatives = flat_feat[neg_idx]
        pos_sim = jnp.sum(anchors * positives, axis=1) / TEMPERATURE
        neg_sim = (anchors @ negatives.T) / TEMPERATURE
        logits = jnp.concatenate([pos_sim[:, None], neg_sim], axis=1)
        # cross entropy with label 0, mean reduction
        ce = jnp.mean(jax.scipy.special.logsumexp(logits, axis=1) - logits[:, 0])
        loss = loss + jnp.where(valid, ce, 0.0)
        count = count + valid.astype(jnp.int32)
    return loss / jnp.maximum(count, 1)

if __name__ == "__main__":
    import jax
    _d = setup_inputs()
    print(jax.jit(kernel)(*tuple(_d.values())))

</pallas_src>

<mosaic_0001>
#map = affine_map<(d0, d1) -> (0, 0)>
module attributes {stable_mosaic.version = 14 : i64} {
  func.func @_sample_kernel(%arg0: i32, %arg1: i32, %arg2: memref<16x1024xf32, #tpu.memory_space<hbm>>, %arg3: memref<32x512xi32, #tpu.memory_space<hbm>>, %arg4: memref<32x512xi32, #tpu.memory_space<hbm>>, %arg5: memref<32x512xi32, #tpu.memory_space<hbm>>, %arg6: memref<1024xf32, #tpu.memory_space<vmem>>, %arg7: memref<512xi32, #tpu.memory_space<vmem>>, %arg8: memref<512xi32, #tpu.memory_space<vmem>>, %arg9: memref<1024xi32, #tpu.memory_space<vmem>>, %arg10: memref<512xi32, #tpu.memory_space<vmem>>) attributes {dimension_semantics = [#tpu.dimension_semantics<core_parallel>, #tpu.dimension_semantics<subcore_parallel>], iteration_bounds = array<i64: 2, 16>, scalar_prefetch = 0 : i64, scratch_operands = 5 : i64, tpu.core_type = #tpu.core_type<sc_vector_subcore>, window_params = [{transform_indices = #map}, {transform_indices = #map}, {transform_indices = #map}, {transform_indices = #map}]} {
    %mul3A = arith.constant 2 : i32
    %mul3A_0 = arith.muli %arg1, %mul3A : i32
    %add3A = arith.addi %mul3A_0, %arg0 : i32
    %jit3A = arith.constant 2 : i32
    %div3A = arith.divsi %add3A, %jit3A : i32
    %sign3A = arith.constant 0 : i32
    %sign3A_1 = arith.cmpi sgt, %add3A, %sign3A : i32
    %sign3A_2 = arith.extui %sign3A_1 : i1 to i32
    %sign3A_3 = arith.constant 0 : i32
    %sign3A_4 = arith.cmpi slt, %add3A, %sign3A_3 : i32
    %sign3A_5 = arith.extui %sign3A_4 : i1 to i32
    %sign3A_6 = arith.subi %sign3A_2, %sign3A_5 : i32
    %sign3A_7 = arith.constant 0 : i32
    %sign3A_8 = arith.cmpi sgt, %jit3A, %sign3A_7 : i32
    %sign3A_9 = arith.extui %sign3A_8 : i1 to i32
    %sign3A_10 = arith.constant 0 : i32
    %sign3A_11 = arith.cmpi slt, %jit3A, %sign3A_10 : i32
    %sign3A_12 = arith.extui %sign3A_11 : i1 to i32
    %sign3A_13 = arith.subi %sign3A_9, %sign3A_12 : i32
    %ne3A = arith.cmpi ne, %sign3A_6, %sign3A_13 : i32
    %rem3A = arith.remsi %add3A, %jit3A : i32
    %ne3A_14 = arith.constant 0 : i32
    %ne3A_15 = arith.cmpi ne, %rem3A, %ne3A_14 : i32
    %and3A = arith.andi %ne3A, %ne3A_15 : i1
    %sub3A = arith.constant 1 : i32
    %sub3A_16 = arith.subi %div3A, %sub3A : i32
    %select_n3A = arith.select %and3A, %sub3A_16, %div3A : i32
    %jit3A_17 = arith.constant 2 : i32
    %eq3A = arith.constant 0 : i32
    %eq3A_18 = arith.cmpi eq, %jit3A_17, %eq3A : i32
    %jit3A_19 = arith.constant 1 : i32
    %select_n3A_20 = arith.select %eq3A_18, %jit3A_19, %jit3A_17 : i32
    %rem3A_21 = arith.remsi %add3A, %select_n3A_20 : i32
    %ne3A_22 = arith.constant 0 : i32
    %ne3A_23 = arith.cmpi ne, %rem3A_21, %ne3A_22 : i32
    %lt3A = arith.constant 0 : i32
    %lt3A_24 = arith.cmpi slt, %rem3A_21, %lt3A : i32
    %lt3A_25 = arith.constant 0 : i32
    %lt3A_26 = arith.cmpi slt, %select_n3A_20, %lt3A_25 : i32
    %ne3A_27 = arith.xori %lt3A_24, %lt3A_26 : i1
    %and3A_28 = arith.andi %ne3A_27, %ne3A_23 : i1
    %add3A_29 = arith.addi %rem3A_21, %select_n3A_20 : i32
    %select_n3A_30 = arith.select %and3A_28, %add3A_29, %rem3A_21 : i32
    %eq3A_31 = arith.constant 0 : i32
    %eq3A_32 = arith.cmpi eq, %select_n3A_30, %eq3A_31 : i32
    "tpu.region"() ({
      %run_scoped3A = tpu.sem_alloc : memref<!tpu.dma_semaphore, #tpu.memory_space<semaphore_mem>>
      %dma_start3A = arith.constant 0 : i32
      %dma_start3A_99 = tpu.memref_slice %arg2[%select_n3A, %dma_start3A] : memref<16x1024xf32, #tpu.memory_space<hbm>> -> memref<1x1024xf32, #tpu.memory_space<hbm>>
      %dma_start3A_100 = tpu.memref_squeeze %dma_start3A_99 : memref<1x1024xf32, #tpu.memory_space<hbm>> -> memref<1024xf32, #tpu.memory_space<hbm>>
      %dma_start3A_101 = arith.constant 0 : i32
      %dma_start3A_102 = tpu.memref_slice %arg2[%select_n3A, %dma_start3A_101] : memref<16x1024xf32, #tpu.memory_space<hbm>> -> memref<1x1024xf32, #tpu.memory_space<hbm>>
      %dma_start3A_103 = tpu.memref_squeeze %dma_start3A_102 : memref<1x1024xf32, #tpu.memory_space<hbm>> -> memref<1024xf32, #tpu.memory_space<hbm>>
      tpu.enqueue_dma source(%dma_start3A_103 : memref<1024xf32, #tpu.memory_space<hbm>>) target(%arg6 : memref<1024xf32, #tpu.memory_space<vmem>>) target_semaphore(%run_scoped3A : memref<!tpu.dma_semaphore, #tpu.memory_space<semaphore_mem>>)
      %dma_wait3A = arith.constant 0 : i32
      %dma_wait3A_104 = tpu.memref_slice %arg2[%select_n3A, %dma_wait3A] : memref<16x1024xf32, #tpu.memory_space<hbm>> -> memref<1x1024xf32, #tpu.memory_space<hbm>>
      %dma_wait3A_105 = tpu.memref_squeeze %dma_wait3A_104 : memref<1x1024xf32, #tpu.memory_space<hbm>> -> memref<1024xf32, #tpu.memory_space<hbm>>
      %dma_wait3A_106 = arith.constant 0 : i32
      %dma_wait3A_107 = tpu.memref_slice %arg2[%select_n3A, %dma_wait3A_106] : memref<16x1024xf32, #tpu.memory_space<hbm>> -> memref<1x1024xf32, #tpu.memory_space<hbm>>
      %dma_wait3A_108 = tpu.memref_squeeze %dma_wait3A_107 : memref<1x1024xf32, #tpu.memory_space<hbm>> -> memref<1024xf32, #tpu.memory_space<hbm>>
      tpu.wait_dma2 semaphore(%run_scoped3A : memref<!tpu.dma_semaphore, #tpu.memory_space<semaphore_mem>>) src(%dma_wait3A_108 : memref<1024xf32, #tpu.memory_space<hbm>>) dst(%arg6 : memref<1024xf32, #tpu.memory_space<vmem>>)
      tpu.yield
    }) : () -> ()
    "tpu.region"() ({
      %run_scoped3A = tpu.sem_alloc : memref<!tpu.dma_semaphore, #tpu.memory_space<semaphore_mem>>
      %dma_start3A = arith.constant 0 : i32
      %dma_start3A_99 = tpu.memref_slice %arg3[%add3A, %dma_start3A] : memref<32x512xi32, #tpu.memory_space<hbm>> -> memref<1x512xi32, #tpu.memory_space<hbm>>
      %dma_start3A_100 = tpu.memref_squeeze %dma_start3A_99 : memref<1x512xi32, #tpu.memory_space<hbm>> -> memref<512xi32, #tpu.memory_space<hbm>>
      %dma_start3A_101 = arith.constant 0 : i32
      %dma_start3A_102 = tpu.memref_slice %arg3[%add3A, %dma_start3A_101] : memref<32x512xi32, #tpu.memory_space<hbm>> -> memref<1x512xi32, #tpu.memory_space<hbm>>
      %dma_start3A_103 = tpu.memref_squeeze %dma_start3A_102 : memref<1x512xi32, #tpu.memory_space<hbm>> -> memref<512xi32, #tpu.memory_space<hbm>>
      tpu.enqueue_dma source(%dma_start3A_103 : memref<512xi32, #tpu.memory_space<hbm>>) target(%arg7 : memref<512xi32, #tpu.memory_space<vmem>>) target_semaphore(%run_scoped3A : memref<!tpu.dma_semaphore, #tpu.memory_space<semaphore_mem>>)
      %dma_wait3A = arith.constant 0 : i32
      %dma_wait3A_104 = tpu.memref_slice %arg3[%add3A, %dma_wait3A] : memref<32x512xi32, #tpu.memory_space<hbm>> -> memref<1x512xi32, #tpu.memory_space<hbm>>
      %dma_wait3A_105 = tpu.memref_squeeze %dma_wait3A_104 : memref<1x512xi32, #tpu.memory_space<hbm>> -> memref<512xi32, #tpu.memory_space<hbm>>
      %dma_wait3A_106 = arith.constant 0 : i32
      %dma_wait3A_107 = tpu.memref_slice %arg3[%add3A, %dma_wait3A_106] : memref<32x512xi32, #tpu.memory_space<hbm>> -> memref<1x512xi32, #tpu.memory_space<hbm>>
      %dma_wait3A_108 = tpu.memref_squeeze %dma_wait3A_107 : memref<1x512xi32, #tpu.memory_space<hbm>> -> memref<512xi32, #tpu.memory_space<hbm>>
      tpu.wait_dma2 semaphore(%run_scoped3A : memref<!tpu.dma_semaphore, #tpu.memory_space<semaphore_mem>>) src(%dma_wait3A_108 : memref<512xi32, #tpu.memory_space<hbm>>) dst(%arg7 : memref<512xi32, #tpu.memory_space<vmem>>)
      tpu.yield
    }) : () -> ()
    "tpu.region"() ({
      %run_scoped3A = tpu.sem_alloc : memref<!tpu.dma_semaphore, #tpu.memory_space<semaphore_mem>>
      %dma_start3A = arith.constant 0 : i32
      %dma_start3A_99 = tpu.memref_slice %arg4[%add3A, %dma_start3A] : memref<32x512xi32, #tpu.memory_space<hbm>> -> memref<1x512xi32, #tpu.memory_space<hbm>>
      %dma_start3A_100 = tpu.memref_squeeze %dma_start3A_99 : memref<1x512xi32, #tpu.memory_space<hbm>> -> memref<512xi32, #tpu.memory_space<hbm>>
      %dma_start3A_101 = arith.constant 0 : i32
      %dma_start3A_102 = tpu.memref_slice %arg4[%add3A, %dma_start3A_101] : memref<32x512xi32, #tpu.memory_space<hbm>> -> memref<1x512xi32, #tpu.memory_space<hbm>>
      %dma_start3A_103 = tpu.memref_squeeze %dma_start3A_102 : memref<1x512xi32, #tpu.memory_space<hbm>> -> memref<512xi32, #tpu.memory_space<hbm>>
      tpu.enqueue_dma source(%dma_start3A_103 : memref<512xi32, #tpu.memory_space<hbm>>) target(%arg8 : memref<512xi32, #tpu.memory_space<vmem>>) target_semaphore(%run_scoped3A : memref<!tpu.dma_semaphore, #tpu.memory_space<semaphore_mem>>)
      %dma_wait3A = arith.constant 0 : i32
      %dma_wait3A_104 = tpu.memref_slice %arg4[%add3A, %dma_wait3A] : memref<32x512xi32, #tpu.memory_space<hbm>> -> memref<1x512xi32, #tpu.memory_space<hbm>>
      %dma_wait3A_105 = tpu.memref_squeeze %dma_wait3A_104 : memref<1x512xi32, #tpu.memory_space<hbm>> -> memref<512xi32, #tpu.memory_space<hbm>>
      %dma_wait3A_106 = arith.constant 0 : i32
      %dma_wait3A_107 = tpu.memref_slice %arg4[%add3A, %dma_wait3A_106] : memref<32x512xi32, #tpu.memory_space<hbm>> -> memref<1x512xi32, #tpu.memory_space<hbm>>
      %dma_wait3A_108 = tpu.memref_squeeze %dma_wait3A_107 : memref<1x512xi32, #tpu.memory_space<hbm>> -> memref<512xi32, #tpu.memory_space<hbm>>
      tpu.wait_dma2 semaphore(%run_scoped3A : memref<!tpu.dma_semaphore, #tpu.memory_space<semaphore_mem>>) src(%dma_wait3A_108 : memref<512xi32, #tpu.memory_space<hbm>>) dst(%arg8 : memref<512xi32, #tpu.memory_space<vmem>>)
      tpu.yield
    }) : () -> ()
    %broadcast_in_dim3A = vector.broadcast %eq3A_32 : i1 to vector<16xi1>
    %scan3A = arith.constant 0 : i32
    %scan3A_33 = arith.constant 0 : i32
    %scan3A_34 = arith.constant 64 : i32
    %scan3A_35 = arith.addi %scan3A_33, %scan3A_34 : i32
    %scan3A_36 = arith.constant 1 : i32
    %scan3A_37 = scf.for %scan3A_99 = %scan3A_33 to %scan3A_35 step %scan3A_36 iter_args(%scan3A_100 = %scan3A) -> (i32)  : i32 {
      %mul3A_101 = arith.constant 16 : i32
      %mul3A_102 = arith.muli %scan3A_99, %mul3A_101 : i32
      %get3A = arith.index_cast %mul3A_102 : i32 to index
      %get3A_103 = tpu.vector_load %arg6[%get3A] {strides = array<i32>} : memref<1024xf32, #tpu.memory_space<vmem>>, vector<16xf32>,
      %gt3A = arith.constant 5.000000e-01 : f32
      %gt3A_104 = vector.broadcast %gt3A : f32 to vector<16xf32>
      %gt3A_105 = arith.cmpf ogt, %get3A_103, %gt3A_104 : vector<16xf32>
      %convert_element_type3A = arith.extui %gt3A_105 : vector<16xi1> to vector<16xi32>
      %broadcast_in_dim3A_106 = arith.constant true
      %broadcast_in_dim3A_107 = vector.broadcast %broadcast_in_dim3A_106 : i1 to vector<16xi1>
      %masked_cumsum3A = tpu.scan <sum>, %convert_element_type3A masked %broadcast_in_dim3A_107 : vector<16xi32>, vector<16xi1> -> vector<16xi32>
      %iota3A = tpu.iota {dimensions = array<i32: 0>} : vector<16xi32>
      %mul3A_108 = arith.constant 16 : i32
      %mul3A_109 = arith.muli %scan3A_99, %mul3A_108 : i32
      %broadcast_in_dim3A_110 = vector.broadcast %mul3A_109 : i32 to vector<16xi32>
      %add3A_111 = arith.addi %iota3A, %broadcast_in_dim3A_110 : vector<16xi32>
      %sub3A_112 = arith.subi %masked_cumsum3A, %convert_element_type3A : vector<16xi32>
      %broadcast_in_dim3A_113 = vector.broadcast %scan3A_100 : i32 to vector<16xi32>
      %add3A_114 = arith.addi %sub3A_112, %broadcast_in_dim3A_113 : vector<16xi32>
      %sub3A_115 = arith.subi %add3A_111, %add3A_114 : vector<16xi32>
      %select_n3A_116 = arith.select %broadcast_in_dim3A, %add3A_114, %sub3A_115 : vector<16xi1>, vector<16xi32>
      %not3A = arith.constant dense<true> : vector<16xi1>
      %not3A_117 = arith.xori %broadcast_in_dim3A, %not3A : vector<16xi1>
      %xor3A = arith.xori %gt3A_105, %not3A_117 : vector<16xi1>
      tpu.vector_store_idx %arg9[%select_n3A_116], %add3A_111 masked %xor3A : memref<1024xi32, #tpu.memory_space<vmem>>[vector<16xi32>], vector<16xi32>, vector<16xi1>
      %reduce_sum3A = arith.constant true
      %reduce_sum3A_118 = vector.broadcast %reduce_sum3A : i1 to vector<16xi1>
      %reduce_sum3A_119 = tpu.scan <sum>, %convert_element_type3A masked %reduce_sum3A_118 : vector<16xi32>, vector<16xi1> -> vector<16xi32>
      %reduce_sum3A_120 = vector.extract %reduce_sum3A_119[15] : i32 from vector<16xi32>
      %add3A_121 = arith.addi %scan3A_100, %reduce_sum3A_120 : i32
      scf.yield %add3A_121 : i32
    }
    %scan3A_38 = arith.constant 64 : i32
    %sub3A_39 = arith.constant 1024 : i32
    %sub3A_40 = arith.subi %sub3A_39, %scan3A_37 : i32
    %select_n3A_41 = arith.select %eq3A_32, %scan3A_37, %sub3A_40 : i32
    %broadcast_in_dim3A_42 = vector.broadcast %select_n3A_41 : i32 to vector<16xi32>
    %broadcast_in_dim3A_43 = arith.constant 1 : i32
    %broadcast_in_dim3A_44 = vector.broadcast %broadcast_in_dim3A_43 : i32 to vector<16xi32>
    %max3A = arith.maxsi %broadcast_in_dim3A_42, %broadcast_in_dim3A_44 : vector<16xi32>
    %eq3A_45 = arith.constant 0 : i32
    %eq3A_46 = arith.cmpi eq, %select_n3A_41, %eq3A_45 : i32
    %broadcast_in_dim3A_47 = vector.broadcast %eq3A_46 : i1 to vector<16xi1>
    %broadcast_in_dim3A_48 = arith.constant 0 : i32
    %broadcast_in_dim3A_49 = vector.broadcast %broadcast_in_dim3A_48 : i32 to vector<16xi32>
    %broadcast_in_dim3A_50 = arith.constant 65536 : i32
    %broadcast_in_dim3A_51 = vector.broadcast %broadcast_in_dim3A_50 : i32 to vector<16xi32>
    %eq3A_52 = arith.constant 0 : i32
    %eq3A_53 = vector.broadcast %eq3A_52 : i32 to vector<16xi32>
    %eq3A_54 = arith.cmpi eq, %max3A, %eq3A_53 : vector<16xi32>
    %broadcast_in_dim3A_55 = arith.constant 1 : i32
    %broadcast_in_dim3A_56 = vector.broadcast %broadcast_in_dim3A_55 : i32 to vector<16xi32>
    %select_n3A_57 = arith.select %eq3A_54, %broadcast_in_dim3A_56, %max3A : vector<16xi1>, vector<16xi32>
    %rem3A_58 = arith.remui %broadcast_in_dim3A_51, %select_n3A_57 : vector<16xi32>
    %ne3A_59 = arith.constant 0 : i32
    %ne3A_60 = vector.broadcast %ne3A_59 : i32 to vector<16xi32>
    %ne3A_61 = arith.cmpi ne, %rem3A_58, %ne3A_60 : vector<16xi32>
    %lt3A_62 = arith.constant 0 : i32
    %lt3A_63 = vector.broadcast %lt3A_62 : i32 to vector<16xi32>
    %lt3A_64 = arith.cmpi ult, %rem3A_58, %lt3A_63 : vector<16xi32>
    %lt3A_65 = arith.constant 0 : i32
    %lt3A_66 = vector.broadcast %lt3A_65 : i32 to vector<16xi32>
    %lt3A_67 = arith.cmpi ult, %select_n3A_57, %lt3A_66 : vector<16xi32>
    %ne3A_68 = arith.xori %lt3A_64, %lt3A_67 : vector<16xi1>
    %and3A_69 = arith.andi %ne3A_68, %ne3A_61 : vector<16xi1>
    %add3A_70 = arith.addi %rem3A_58, %select_n3A_57 : vector<16xi32>
    %select_n3A_71 = arith.select %and3A_69, %add3A_70, %rem3A_58 : vector<16xi1>, vector<16xi32>
    %mul3A_72 = arith.muli %select_n3A_71, %select_n3A_71 : vector<16xi32>
    %eq3A_73 = arith.constant 0 : i32
    %eq3A_74 = vector.broadcast %eq3A_73 : i32 to vector<16xi32>
    %eq3A_75 = arith.cmpi eq, %max3A, %eq3A_74 : vector<16xi32>
    %broadcast_in_dim3A_76 = arith.constant 1 : i32
    %broadcast_in_dim3A_77 = vector.broadcast %broadcast_in_dim3A_76 : i32 to vector<16xi32>
    %select_n3A_78 = arith.select %eq3A_75, %broadcast_in_dim3A_77, %max3A : vector<16xi1>, vector<16xi32>
    %rem3A_79 = arith.remui %mul3A_72, %select_n3A_78 : vector<16xi32>
    %ne3A_80 = arith.constant 0 : i32
    %ne3A_81 = vector.broadcast %ne3A_80 : i32 to vector<16xi32>
    %ne3A_82 = arith.cmpi ne, %rem3A_79, %ne3A_81 : vector<16xi32>
    %lt3A_83 = arith.constant 0 : i32
    %lt3A_84 = vector.broadcast %lt3A_83 : i32 to vector<16xi32>
    %lt3A_85 = arith.cmpi ult, %rem3A_79, %lt3A_84 : vector<16xi32>
    %lt3A_86 = arith.constant 0 : i32
    %lt3A_87 = vector.broadcast %lt3A_86 : i32 to vector<16xi32>
    %lt3A_88 = arith.cmpi ult, %select_n3A_78, %lt3A_87 : vector<16xi32>
    %ne3A_89 = arith.xori %lt3A_85, %lt3A_88 : vector<16xi1>
    %and3A_90 = arith.andi %ne3A_89, %ne3A_82 : vector<16xi1>
    %add3A_91 = arith.addi %rem3A_79, %select_n3A_78 : vector<16xi32>
    %select_n3A_92 = arith.select %and3A_90, %add3A_91, %rem3A_79 : vector<16xi1>, vector<16xi32>
    %scan3A_93 = arith.constant 0 : i32
    %scan3A_94 = arith.constant 0 : i32
    %scan3A_95 = arith.constant 32 : i32
    %scan3A_96 = arith.addi %scan3A_94, %scan3A_95 : i32
    %scan3A_97 = arith.constant 1 : i32
    scf.for %scan3A_99 = %scan3A_94 to %scan3A_96 step %scan3A_97  : i32 {
      %mul3A_100 = arith.constant 16 : i32
      %mul3A_101 = arith.muli %scan3A_99, %mul3A_100 : i32
      %get3A = arith.index_cast %mul3A_101 : i32 to index
      %get3A_102 = tpu.vector_load %arg7[%get3A] {strides = array<i32>} : memref<512xi32, #tpu.memory_space<vmem>>, vector<16xi32>,
      %mul3A_103 = arith.constant 16 : i32
      %mul3A_104 = arith.muli %scan3A_99, %mul3A_103 : i32
      %get3A_105 = arith.index_cast %mul3A_104 : i32 to index
      %get3A_106 = tpu.vector_load %arg8[%get3A_105] {strides = array<i32>} : memref<512xi32, #tpu.memory_space<vmem>>, vector<16xi32>,
      %eq3A_107 = arith.constant 0 : i32
      %eq3A_108 = vector.broadcast %eq3A_107 : i32 to vector<16xi32>
      %eq3A_109 = arith.cmpi eq, %max3A, %eq3A_108 : vector<16xi32>
      %broadcast_in_dim3A_110 = arith.constant 1 : i32
      %broadcast_in_dim3A_111 = vector.broadcast %broadcast_in_dim3A_110 : i32 to vector<16xi32>
      %select_n3A_112 = arith.select %eq3A_109, %broadcast_in_dim3A_111, %max3A : vector<16xi1>, vector<16xi32>
      %rem3A_113 = arith.remui %get3A_102, %select_n3A_112 : vector<16xi32>
      %ne3A_114 = arith.constant 0 : i32
      %ne3A_115 = vector.broadcast %ne3A_114 : i32 to vector<16xi32>
      %ne3A_116 = arith.cmpi ne, %rem3A_113, %ne3A_115 : vector<16xi32>
      %lt3A_117 = arith.constant 0 : i32
      %lt3A_118 = vector.broadcast %lt3A_117 : i32 to vector<16xi32>
      %lt3A_119 = arith.cmpi ult, %rem3A_113, %lt3A_118 : vector<16xi32>
      %lt3A_120 = arith.constant 0 : i32
      %lt3A_121 = vector.broadcast %lt3A_120 : i32 to vector<16xi32>
      %lt3A_122 = arith.cmpi ult, %select_n3A_112, %lt3A_121 : vector<16xi32>
      %ne3A_123 = arith.xori %lt3A_119, %lt3A_122 : vector<16xi1>
      %and3A_124 = arith.andi %ne3A_123, %ne3A_116 : vector<16xi1>
      %add3A_125 = arith.addi %rem3A_113, %select_n3A_112 : vector<16xi32>
      %select_n3A_126 = arith.select %and3A_124, %add3A_125, %rem3A_113 : vector<16xi1>, vector<16xi32>
      %mul3A_127 = arith.muli %select_n3A_126, %select_n3A_92 : vector<16xi32>
      %eq3A_128 = arith.constant 0 : i32
      %eq3A_129 = vector.broadcast %eq3A_128 : i32 to vector<16xi32>
      %eq3A_130 = arith.cmpi eq, %max3A, %eq3A_129 : vector<16xi32>
      %broadcast_in_dim3A_131 = arith.constant 1 : i32
      %broadcast_in_dim3A_132 = vector.broadcast %broadcast_in_dim3A_131 : i32 to vector<16xi32>
      %select_n3A_133 = arith.select %eq3A_130, %broadcast_in_dim3A_132, %max3A : vector<16xi1>, vector<16xi32>
      %rem3A_134 = arith.remui %get3A_106, %select_n3A_133 : vector<16xi32>
      %ne3A_135 = arith.constant 0 : i32
      %ne3A_136 = vector.broadcast %ne3A_135 : i32 to vector<16xi32>
      %ne3A_137 = arith.cmpi ne, %rem3A_134, %ne3A_136 : vector<16xi32>
      %lt3A_138 = arith.constant 0 : i32
      %lt3A_139 = vector.broadcast %lt3A_138 : i32 to vector<16xi32>
      %lt3A_140 = arith.cmpi ult, %rem3A_134, %lt3A_139 : vector<16xi32>
      %lt3A_141 = arith.constant 0 : i32
      %lt3A_142 = vector.broadcast %lt3A_141 : i32 to vector<16xi32>
      %lt3A_143 = arith.cmpi ult, %select_n3A_133, %lt3A_142 : vector<16xi32>
      %ne3A_144 = arith.xori %lt3A_140, %lt3A_143 : vector<16xi1>
      %and3A_145 = arith.andi %ne3A_144, %ne3A_137 : vector<16xi1>
      %add3A_146 = arith.addi %rem3A_134, %select_n3A_133 : vector<16xi32>
      %select_n3A_147 = arith.select %and3A_145, %add3A_146, %rem3A_134 : vector<16xi1>, vector<16xi32>
      %add3A_148 = arith.addi %mul3A_127, %select_n3A_147 : vector<16xi32>
      %eq3A_149 = arith.constant 0 : i32
      %eq3A_150 = vector.broadcast %eq3A_149 : i32 to vector<16xi32>
      %eq3A_151 = arith.cmpi eq, %max3A, %eq3A_150 : vector<16xi32>
      %broadcast_in_dim3A_152 = arith.constant 1 : i32
      %broadcast_in_dim3A_153 = vector.broadcast %broadcast_in_dim3A_152 : i32 to vector<16xi32>
      %select_n3A_154 = arith.select %eq3A_151, %broadcast_in_dim3A_153, %max3A : vector<16xi1>, vector<16xi32>
      %rem3A_155 = arith.remui %add3A_148, %select_n3A_154 : vector<16xi32>
      %ne3A_156 = arith.constant 0 : i32
      %ne3A_157 = vector.broadcast %ne3A_156 : i32 to vector<16xi32>
      %ne3A_158 = arith.cmpi ne, %rem3A_155, %ne3A_157 : vector<16xi32>
      %lt3A_159 = arith.constant 0 : i32
      %lt3A_160 = vector.broadcast %lt3A_159 : i32 to vector<16xi32>
      %lt3A_161 = arith.cmpi ult, %rem3A_155, %lt3A_160 : vector<16xi32>
      %lt3A_162 = arith.constant 0 : i32
      %lt3A_163 = vector.broadcast %lt3A_162 : i32 to vector<16xi32>
      %lt3A_164 = arith.cmpi ult, %select_n3A_154, %lt3A_163 : vector<16xi32>
      %ne3A_165 = arith.xori %lt3A_161, %lt3A_164 : vector<16xi1>
      %and3A_166 = arith.andi %ne3A_165, %ne3A_158 : vector<16xi1>
      %add3A_167 = arith.addi %rem3A_155, %select_n3A_154 : vector<16xi32>
      %select_n3A_168 = arith.select %and3A_166, %add3A_167, %rem3A_155 : vector<16xi1>, vector<16xi32>
      %gather3A = tpu.vector_load_idx %arg9[%select_n3A_168] : memref<1024xi32, #tpu.memory_space<vmem>>[vector<16xi32>], vector<16xi32>,
      %select_n3A_169 = arith.select %broadcast_in_dim3A_47, %broadcast_in_dim3A_49, %gather3A : vector<16xi1>, vector<16xi32>
      %mul3A_170 = arith.constant 16 : i32
      %mul3A_171 = arith.muli %scan3A_99, %mul3A_170 : i32
      %swap3A = arith.index_cast %mul3A_171 : i32 to index
      %swap3A_172 = tpu.vector_load %arg10[%swap3A] {strides = array<i32>} : memref<512xi32, #tpu.memory_space<vmem>>, vector<16xi32>,
      tpu.vector_store %arg10[%swap3A], %select_n3A_169 {strides = array<i32>} : memref<512xi32, #tpu.memory_space<vmem>>, vector<16xi32>,
    }
    %scan3A_98 = arith.constant 32 : i32
    "tpu.region"() ({
      %run_scoped3A = tpu.sem_alloc : memref<!tpu.dma_semaphore, #tpu.memory_space<semaphore_mem>>
      %dma_start3A = arith.constant 0 : i32
      %dma_start3A_99 = tpu.memref_slice %arg5[%add3A, %dma_start3A] : memref<32x512xi32, #tpu.memory_space<hbm>> -> memref<1x512xi32, #tpu.memory_space<hbm>>
      %dma_start3A_100 = tpu.memref_squeeze %dma_start3A_99 : memref<1x512xi32, #tpu.memory_space<hbm>> -> memref<512xi32, #tpu.memory_space<hbm>>
      %dma_start3A_101 = arith.constant 0 : i32
      %dma_start3A_102 = tpu.memref_slice %arg5[%add3A, %dma_start3A_101] : memref<32x512xi32, #tpu.memory_space<hbm>> -> memref<1x512xi32, #tpu.memory_space<hbm>>
      %dma_start3A_103 = tpu.memref_squeeze %dma_start3A_102 : memref<1x512xi32, #tpu.memory_space<hbm>> -> memref<512xi32, #tpu.memory_space<hbm>>
      tpu.enqueue_dma source(%arg10 : memref<512xi32, #tpu.memory_space<vmem>>) target(%dma_start3A_103 : memref<512xi32, #tpu.memory_space<hbm>>) target_semaphore(%run_scoped3A : memref<!tpu.dma_semaphore, #tpu.memory_space<semaphore_mem>>)
      %dma_wait3A = arith.constant 0 : i32
      %dma_wait3A_104 = tpu.memref_slice %arg5[%add3A, %dma_wait3A] : memref<32x512xi32, #tpu.memory_space<hbm>> -> memref<1x512xi32, #tpu.memory_space<hbm>>
      %dma_wait3A_105 = tpu.memref_squeeze %dma_wait3A_104 : memref<1x512xi32, #tpu.memory_space<hbm>> -> memref<512xi32, #tpu.memory_space<hbm>>
      %dma_wait3A_106 = arith.constant 0 : i32
      %dma_wait3A_107 = tpu.memref_slice %arg5[%add3A, %dma_wait3A_106] : memref<32x512xi32, #tpu.memory_space<hbm>> -> memref<1x512xi32, #tpu.memory_space<hbm>>
      %dma_wait3A_108 = tpu.memref_squeeze %dma_wait3A_107 : memref<1x512xi32, #tpu.memory_space<hbm>> -> memref<512xi32, #tpu.memory_space<hbm>>
      tpu.wait_dma2 semaphore(%run_scoped3A : memref<!tpu.dma_semaphore, #tpu.memory_space<semaphore_mem>>) src(%arg10 : memref<512xi32, #tpu.memory_space<vmem>>) dst(%dma_wait3A_108 : memref<512xi32, #tpu.memory_space<hbm>>)
      tpu.yield
    }) : () -> ()
    return
  }
}

module attributes {stable_mosaic.version = 14 : i64} {
  func.func @_loss_kernel(%arg0: i32, %arg1: memref<4x384x1024xf32, #tpu.memory_space<vmem>>, %arg2: memref<4x1x1024xi32, #tpu.memory_space<vmem>>, %arg3: memref<384x384xf32, #tpu.memory_space<vmem>>, %arg4: memref<384x1xf32, #tpu.memory_space<vmem>>, %arg5: memref<128x384xf32, #tpu.memory_space<vmem>>, %arg6: memref<128x1xf32, #tpu.memory_space<vmem>>, %arg7: memref<1xf32, #tpu.memory_space<smem>>, %arg8: memref<2xf32, #tpu.memory_space<smem>>) attributes {dimension_semantics = [#tpu.dimension_semantics<arbitrary>], iteration_bounds = array<i64: 4>, scalar_prefetch = 0 : i64, scratch_operands = 1 : i64, tpu.core_type = #tpu.core_type<tc>, window_params = [{transform_indices = @transform_0, window_bounds = array<i64: 4, 384, 1024>}, {transform_indices = @transform_1, window_bounds = array<i64: 4, 1, 1024>}, {pipeline_mode = #tpu.pipeline_mode<synchronous>, transform_indices = @transform_2, window_bounds = array<i64: 384, 384>}, {pipeline_mode = #tpu.pipeline_mode<synchronous>, transform_indices = @transform_3, window_bounds = array<i64: 384, 1>}, {pipeline_mode = #tpu.pipeline_mode<synchronous>, transform_indices = @transform_4, window_bounds = array<i64: 128, 384>}, {pipeline_mode = #tpu.pipeline_mode<synchronous>, transform_indices = @transform_5, window_bounds = array<i64: 128, 1>}, {transform_indices = @transform_6, window_bounds = array<i64: 1>}]} {
    %eq3A = arith.constant 0 : i32
    %eq3A_0 = arith.cmpi eq, %arg0, %eq3A : i32
    %convert_element_type3A = arith.extui %eq3A_0 : i1 to i32
    %cond3A = arith.constant 0 : i32
    %cond3A_1 = arith.cmpi ne, %convert_element_type3A, %cond3A : i32
    scf.if %cond3A_1 {
      %swap3A_469 = arith.constant 0.000000e+00 : f32
      %swap3A_470 = arith.constant 0 : index
      %swap3A_471 = memref.load %arg8[%swap3A_470] : memref<2xf32, #tpu.memory_space<smem>>
      memref.store %swap3A_469, %arg8[%swap3A_470] : memref<2xf32, #tpu.memory_space<smem>>
      %swap3A_472 = arith.constant 0.000000e+00 : f32
      %swap3A_473 = arith.constant 1 : index
      %swap3A_474 = memref.load %arg8[%swap3A_473] : memref<2xf32, #tpu.memory_space<smem>>
      memref.store %swap3A_472, %arg8[%swap3A_473] : memref<2xf32, #tpu.memory_space<smem>>
    } else {
    }
    %get3A = arith.constant 0 : index
    %get3A_2 = arith.constant 0 : index
    %get3A_3 = arith.constant 0 : index
    %get3A_4 = vector.load %arg1[%get3A, %get3A_2, %get3A_3] : memref<4x384x1024xf32, #tpu.memory_space<vmem>>, vector<1x384x1024xf32>
    %get3A_5 = vector.shape_cast %get3A_4 : vector<1x384x1024xf32> to vector<384x1024xf32>
    %get3A_6 = arith.constant 0 : index
    %get3A_7 = arith.constant 0 : index
    %get3A_8 = arith.constant 0 : index
    %get3A_9 = vector.load %arg2[%get3A_6, %get3A_7, %get3A_8] : memref<4x1x1024xi32, #tpu.memory_space<vmem>>, vector<1x1x1024xi32>
    %get3A_10 = vector.shape_cast %get3A_9 : vector<1x1x1024xi32> to vector<1x1024xi32>
    %convert_element_type3A_11 = arith.sitofp %get3A_10 : vector<1x1024xi32> to vector<1x1024xf32>
    %get3A_12 = arith.constant 0 : index
    %get3A_13 = arith.constant 0 : index
    %get3A_14 = vector.load %arg3[%get3A_12, %get3A_13] : memref<384x384xf32, #tpu.memory_space<vmem>>, vector<384x384xf32>
    %dot_general3A = arith.constant dense<0.000000e+00> : vector<384x1024xf32>
    %dot_general3A_15 = tpu.matmul %get3A_14, %get3A_5, %dot_general3A {dimension_numbers = #tpu.dot_dimension_numbers<[1], [0], [0], [1], [0, 0, 1, 1], [], []>, transpose_lhs_hint = false} : vector<384x384xf32>, vector<384x1024xf32>, vector<384x1024xf32> -> vector<384x1024xf32>
    %get3A_16 = arith.constant 0 : index
    %get3A_17 = arith.constant 0 : index
    %get3A_18 = vector.load %arg4[%get3A_16, %get3A_17] : memref<384x1xf32, #tpu.memory_space<vmem>>, vector<384x1xf32>
    %add3A = vector.broadcast %get3A_18 : vector<384x1xf32> to vector<384x1024xf32>
    %add3A_19 = arith.addf %dot_general3A_15, %add3A : vector<384x1024xf32>
    %mul3A = arith.constant 5.000000e-01 : f32
    %mul3A_20 = vector.broadcast %mul3A : f32 to vector<384x1024xf32>
    %mul3A_21 = arith.mulf %mul3A_20, %add3A_19 : vector<384x1024xf32>
    %mul3A_22 = arith.constant 0.707106769 : f32
    %mul3A_23 = vector.broadcast %mul3A_22 : f32 to vector<384x1024xf32>
    %mul3A_24 = arith.mulf %add3A_19, %mul3A_23 : vector<384x1024xf32>
    %erf3A = math.erf %mul3A_24 : vector<384x1024xf32>
    %add3A_25 = arith.constant 1.000000e+00 : f32
    %add3A_26 = vector.broadcast %add3A_25 : f32 to vector<384x1024xf32>
    %add3A_27 = arith.addf %add3A_26, %erf3A : vector<384x1024xf32>
    %mul3A_28 = arith.mulf %mul3A_21, %add3A_27 : vector<384x1024xf32>
    %get3A_29 = arith.constant 0 : index
    %get3A_30 = arith.constant 0 : index
    %get3A_31 = vector.load %arg5[%get3A_29, %get3A_30] : memref<128x384xf32, #tpu.memory_space<vmem>>, vector<128x384xf32>
    %dot_general3A_32 = arith.constant dense<0.000000e+00> : vector<128x1024xf32>
    %dot_general3A_33 = tpu.matmul %get3A_31, %mul3A_28, %dot_general3A_32 {dimension_numbers = #tpu.dot_dimension_numbers<[1], [0], [0], [1], [0, 0, 1, 1], [], []>, transpose_lhs_hint = false} : vector<128x384xf32>, vector<384x1024xf32>, vector<128x1024xf32> -> vector<128x1024xf32>
    %get3A_34 = arith.constant 0 : index
    %get3A_35 = arith.constant 0 : index
    %get3A_36 = vector.load %arg6[%get3A_34, %get3A_35] : memref<128x1xf32, #tpu.memory_space<vmem>>, vector<128x1xf32>
    %add3A_37 = vector.broadcast %get3A_36 : vector<128x1xf32> to vector<128x1024xf32>
    %add3A_38 = arith.addf %dot_general3A_33, %add3A_37 : vector<128x1024xf32>
    %mul3A_39 = arith.mulf %add3A_38, %add3A_38 : vector<128x1024xf32>
    %reduce_sum3A = arith.constant dense<0.000000e+00> : vector<1024xf32>
    %reduce_sum3A_40 = vector.multi_reduction <add>, %mul3A_39, %reduce_sum3A [0] : vector<128x1024xf32> to vector<1024xf32>
    %broadcast_in_dim3A = vector.shape_cast %reduce_sum3A_40 : vector<1024xf32> to vector<1x1024xf32>
    %sqrt3A = math.sqrt %broadcast_in_dim3A : vector<1x1024xf32>
    %max3A = arith.constant 9.99999996E-13 : f32
    %max3A_41 = vector.broadcast %max3A : f32 to vector<1x1024xf32>
    %max3A_42 = arith.maximumf %sqrt3A, %max3A_41 : vector<1x1024xf32>
    %div3A = vector.broadcast %max3A_42 : vector<1x1024xf32> to vector<128x1024xf32>
    %div3A_43 = arith.divf %add3A_38, %div3A : vector<128x1024xf32>
    %iota3A = tpu.iota {dimensions = array<i32: 0>} : vector<1024x1xi32>
    %convert_element_type3A_44 = arith.sitofp %iota3A : vector<1024x1xi32> to vector<1024x1xf32>
    %eq3A_45 = vector.broadcast %convert_element_type3A_44 : vector<1024x1xf32> to vector<1024x1024xf32>
    %eq3A_46 = vector.broadcast %convert_element_type3A_11 : vector<1x1024xf32> to vector<1024x1024xf32>
    %eq3A_47 = arith.cmpf oeq, %eq3A_45, %eq3A_46 : vector<1024x1024xf32>
    %convert_element_type3A_48 = arith.extui %eq3A_47 : vector<1024x1024xi1> to vector<1024x1024xi32>
    %convert_element_type3A_49 = arith.sitofp %convert_element_type3A_48 : vector<1024x1024xi32> to vector<1024x1024xf32>
    %dot_general3A_50 = arith.constant dense<0.000000e+00> : vector<128x1024xf32>
    %dot_general3A_51 = tpu.matmul %div3A_43, %convert_element_type3A_49, %dot_general3A_50 {dimension_numbers = #tpu.dot_dimension_numbers<[1], [0], [0], [1], [0, 0, 1, 1], [], []>, transpose_lhs_hint = false} : vector<128x1024xf32>, vector<1024x1024xf32>, vector<128x1024xf32> -> vector<128x1024xf32>
    %slice3A = vector.extract_strided_slice %dot_general3A_51 {offsets = [0, 0], sizes = [128, 256], strides = [1, 1]} : vector<128x1024xf32> to vector<128x256xf32>
    %slice3A_52 = vector.extract_strided_slice %dot_general3A_51 {offsets = [0, 256], sizes = [128, 256], strides = [1, 1]} : vector<128x1024xf32> to vector<128x256xf32>
    %slice3A_53 = vector.extract_strided_slice %dot_general3A_51 {offsets = [0, 512], sizes = [128, 512], strides = [1, 1]} : vector<128x1024xf32> to vector<128x512xf32>
    %mul3A_54 = arith.mulf %slice3A, %slice3A_52 : vector<128x256xf32>
    %reduce_sum3A_55 = arith.constant dense<0.000000e+00> : vector<256xf32>
    %reduce_sum3A_56 = vector.multi_reduction <add>, %mul3A_54, %reduce_sum3A_55 [0] : vector<128x256xf32> to vector<256xf32>
    %broadcast_in_dim3A_57 = vector.shape_cast %reduce_sum3A_56 : vector<256xf32> to vector<1x256xf32>
    %mul3A_58 = arith.constant 14.2857141 : f32
    %mul3A_59 = vector.broadcast %mul3A_58 : f32 to vector<1x256xf32>
    %mul3A_60 = arith.mulf %broadcast_in_dim3A_57, %mul3A_59 : vector<1x256xf32>
    %dot_general3A_61 = arith.constant dense<0.000000e+00> : vector<512x256xf32>
    %dot_general3A_62 = tpu.matmul %slice3A_53, %slice3A, %dot_general3A_61 {dimension_numbers = #tpu.dot_dimension_numbers<[0], [0], [1], [1], [0, 1, 1, 1], [], []>, transpose_lhs_hint = false} : vector<128x512xf32>, vector<128x256xf32>, vector<512x256xf32> -> vector<512x256xf32>
    %mul3A_63 = arith.constant 14.2857141 : f32
    %mul3A_64 = vector.broadcast %mul3A_63 : f32 to vector<512x256xf32>
    %mul3A_65 = arith.mulf %dot_general3A_62, %mul3A_64 : vector<512x256xf32>
    %reduce_max3A = arith.constant dense<0xFF800000> : vector<256xf32>
    %reduce_max3A_66 = vector.multi_reduction <maximumf>, %mul3A_65, %reduce_max3A [0] : vector<512x256xf32> to vector<256xf32>
    %broadcast_in_dim3A_67 = vector.shape_cast %reduce_max3A_66 : vector<256xf32> to vector<1x256xf32>
    %max3A_68 = arith.maximumf %broadcast_in_dim3A_67, %mul3A_60 : vector<1x256xf32>
    %sub3A = vector.broadcast %max3A_68 : vector<1x256xf32> to vector<512x256xf32>
    %sub3A_69 = arith.subf %mul3A_65, %sub3A : vector<512x256xf32>
    %exp3A = math.exp %sub3A_69 : vector<512x256xf32>
    %reduce_sum3A_70 = arith.constant dense<0.000000e+00> : vector<256xf32>
    %reduce_sum3A_71 = vector.multi_reduction <add>, %exp3A, %reduce_sum3A_70 [0] : vector<512x256xf32> to vector<256xf32>
    %broadcast_in_dim3A_72 = vector.shape_cast %reduce_sum3A_71 : vector<256xf32> to vector<1x256xf32>
    %sub3A_73 = arith.subf %mul3A_60, %max3A_68 : vector<1x256xf32>
    %exp3A_74 = math.exp %sub3A_73 : vector<1x256xf32>
    %add3A_75 = arith.addf %broadcast_in_dim3A_72, %exp3A_74 : vector<1x256xf32>
    %log3A = math.log %add3A_75 : vector<1x256xf32>
    %add3A_76 = arith.addf %max3A_68, %log3A : vector<1x256xf32>
    %sub3A_77 = arith.subf %add3A_76, %mul3A_60 : vector<1x256xf32>
    %reduce_sum3A_78 = vector.shape_cast %sub3A_77 : vector<1x256xf32> to vector<1x1x256xf32>
    %reduce_sum3A_79 = arith.constant dense<0.000000e+00> : vector<1xf32>
    %reduce_sum3A_80 = vector.multi_reduction <add>, %reduce_sum3A_78, %reduce_sum3A_79 [1, 2] : vector<1x1x256xf32> to vector<1xf32>
    %reduce_sum3A_81 = vector.shape_cast %reduce_sum3A_80 : vector<1xf32> to vector<1x1x1xf32>
    %reduce_sum3A_82 = vector.extract %reduce_sum3A_81[0, 0, 0] : f32 from vector<1x1x1xf32>
    %div3A_83 = arith.constant 2.560000e+02 : f32
    %div3A_84 = arith.divf %reduce_sum3A_82, %div3A_83 : f32
    %slice3A_85 = vector.extract_strided_slice %convert_element_type3A_11 {offsets = [0, 0], sizes = [1, 256], strides = [1, 1]} : vector<1x1024xf32> to vector<1x256xf32>
    %reduce_sum3A_86 = vector.shape_cast %slice3A_85 : vector<1x256xf32> to vector<1x1x256xf32>
    %reduce_sum3A_87 = arith.constant dense<0.000000e+00> : vector<1xf32>
    %reduce_sum3A_88 = vector.multi_reduction <add>, %reduce_sum3A_86, %reduce_sum3A_87 [1, 2] : vector<1x1x256xf32> to vector<1xf32>
    %reduce_sum3A_89 = vector.shape_cast %reduce_sum3A_88 : vector<1xf32> to vector<1x1x1xf32>
    %reduce_sum3A_90 = vector.extract %reduce_sum3A_89[0, 0, 0] : f32 from vector<1x1x1xf32>
    %gt3A = arith.constant 0.000000e+00 : f32
    %gt3A_91 = arith.cmpf ogt, %reduce_sum3A_90, %gt3A : f32
    %convert_element_type3A_92 = arith.extui %gt3A_91 : i1 to i32
    %convert_element_type3A_93 = arith.sitofp %convert_element_type3A_92 : i32 to f32
    %get3A_94 = arith.constant 0 : index
    %get3A_95 = memref.load %arg8[%get3A_94] : memref<2xf32, #tpu.memory_space<smem>>
    %mul3A_96 = arith.mulf %convert_element_type3A_93, %div3A_84 : f32
    %add3A_97 = arith.addf %get3A_95, %mul3A_96 : f32
    %swap3A = arith.constant 0 : index
    %swap3A_98 = memref.load %arg8[%swap3A] : memref<2xf32, #tpu.memory_space<smem>>
    memref.store %add3A_97, %arg8[%swap3A] : memref<2xf32, #tpu.memory_space<smem>>
    %get3A_99 = arith.constant 1 : index
    %get3A_100 = memref.load %arg8[%get3A_99] : memref<2xf32, #tpu.memory_space<smem>>
    %add3A_101 = arith.addf %get3A_100, %convert_element_type3A_93 : f32
    %swap3A_102 = arith.constant 1 : index
    %swap3A_103 = memref.load %arg8[%swap3A_102] : memref<2xf32, #tpu.memory_space<smem>>
    memref.store %add3A_101, %arg8[%swap3A_102] : memref<2xf32, #tpu.memory_space<smem>>
    %get3A_104 = arith.constant 1 : index
    %get3A_105 = arith.constant 0 : index
    %get3A_106 = arith.constant 0 : index
    %get3A_107 = vector.load %arg1[%get3A_104, %get3A_105, %get3A_106] : memref<4x384x1024xf32, #tpu.memory_space<vmem>>, vector<1x384x1024xf32>
    %get3A_108 = vector.shape_cast %get3A_107 : vector<1x384x1024xf32> to vector<384x1024xf32>
    %get3A_109 = arith.constant 1 : index
    %get3A_110 = arith.constant 0 : index
    %get3A_111 = arith.constant 0 : index
    %get3A_112 = vector.load %arg2[%get3A_109, %get3A_110, %get3A_111] : memref<4x1x1024xi32, #tpu.memory_space<vmem>>, vector<1x1x1024xi32>
    %get3A_113 = vector.shape_cast %get3A_112 : vector<1x1x1024xi32> to vector<1x1024xi32>
    %convert_element_type3A_114 = arith.sitofp %get3A_113 : vector<1x1024xi32> to vector<1x1024xf32>
    %get3A_115 = arith.constant 0 : index
    %get3A_116 = arith.constant 0 : index
    %get3A_117 = vector.load %arg3[%get3A_115, %get3A_116] : memref<384x384xf32, #tpu.memory_space<vmem>>, vector<384x384xf32>
    %dot_general3A_118 = arith.constant dense<0.000000e+00> : vector<384x1024xf32>
    %dot_general3A_119 = tpu.matmul %get3A_117, %get3A_108, %dot_general3A_118 {dimension_numbers = #tpu.dot_dimension_numbers<[1], [0], [0], [1], [0, 0, 1, 1], [], []>, transpose_lhs_hint = false} : vector<384x384xf32>, vector<384x1024xf32>, vector<384x1024xf32> -> vector<384x1024xf32>
    %get3A_120 = arith.constant 0 : index
    %get3A_121 = arith.constant 0 : index
    %get3A_122 = vector.load %arg4[%get3A_120, %get3A_121] : memref<384x1xf32, #tpu.memory_space<vmem>>, vector<384x1xf32>
    %add3A_123 = vector.broadcast %get3A_122 : vector<384x1xf32> to vector<384x1024xf32>
    %add3A_124 = arith.addf %dot_general3A_119, %add3A_123 : vector<384x1024xf32>
    %mul3A_125 = arith.constant 5.000000e-01 : f32
    %mul3A_126 = vector.broadcast %mul3A_125 : f32 to vector<384x1024xf32>
    %mul3A_127 = arith.mulf %mul3A_126, %add3A_124 : vector<384x1024xf32>
    %mul3A_128 = arith.constant 0.707106769 : f32
    %mul3A_129 = vector.broadcast %mul3A_128 : f32 to vector<384x1024xf32>
    %mul3A_130 = arith.mulf %add3A_124, %mul3A_129 : vector<384x1024xf32>
    %erf3A_131 = math.erf %mul3A_130 : vector<384x1024xf32>
    %add3A_132 = arith.constant 1.000000e+00 : f32
    %add3A_133 = vector.broadcast %add3A_132 : f32 to vector<384x1024xf32>
    %add3A_134 = arith.addf %add3A_133, %erf3A_131 : vector<384x1024xf32>
    %mul3A_135 = arith.mulf %mul3A_127, %add3A_134 : vector<384x1024xf32>
    %get3A_136 = arith.constant 0 : index
    %get3A_137 = arith.constant 0 : index
    %get3A_138 = vector.load %arg5[%get3A_136, %get3A_137] : memref<128x384xf32, #tpu.memory_space<vmem>>, vector<128x384xf32>
    %dot_general3A_139 = arith.constant dense<0.000000e+00> : vector<128x1024xf32>
    %dot_general3A_140 = tpu.matmul %get3A_138, %mul3A_135, %dot_general3A_139 {dimension_numbers = #tpu.dot_dimension_numbers<[1], [0], [0], [1], [0, 0, 1, 1], [], []>, transpose_lhs_hint = false} : vector<128x384xf32>, vector<384x1024xf32>, vector<128x1024xf32> -> vector<128x1024xf32>
    %get3A_141 = arith.constant 0 : index
    %get3A_142 = arith.constant 0 : index
    %get3A_143 = vector.load %arg6[%get3A_141, %get3A_142] : memref<128x1xf32, #tpu.memory_space<vmem>>, vector<128x1xf32>
    %add3A_144 = vector.broadcast %get3A_143 : vector<128x1xf32> to vector<128x1024xf32>
    %add3A_145 = arith.addf %dot_general3A_140, %add3A_144 : vector<128x1024xf32>
    %mul3A_146 = arith.mulf %add3A_145, %add3A_145 : vector<128x1024xf32>
    %reduce_sum3A_147 = arith.constant dense<0.000000e+00> : vector<1024xf32>
    %reduce_sum3A_148 = vector.multi_reduction <add>, %mul3A_146, %reduce_sum3A_147 [0] : vector<128x1024xf32> to vector<1024xf32>
    %broadcast_in_dim3A_149 = vector.shape_cast %reduce_sum3A_148 : vector<1024xf32> to vector<1x1024xf32>
    %sqrt3A_150 = math.sqrt %broadcast_in_dim3A_149 : vector<1x1024xf32>
    %max3A_151 = arith.constant 9.99999996E-13 : f32
    %max3A_152 = vector.broadcast %max3A_151 : f32 to vector<1x1024xf32>
    %max3A_153 = arith.maximumf %sqrt3A_150, %max3A_152 : vector<1x1024xf32>
    %div3A_154 = vector.broadcast %max3A_153 : vector<1x1024xf32> to vector<128x1024xf32>
    %div3A_155 = arith.divf %add3A_145, %div3A_154 : vector<128x1024xf32>
    %iota3A_156 = tpu.iota {dimensions = array<i32: 0>} : vector<1024x1xi32>
    %convert_element_type3A_157 = arith.sitofp %iota3A_156 : vector<1024x1xi32> to vector<1024x1xf32>
    %eq3A_158 = vector.broadcast %convert_element_type3A_157 : vector<1024x1xf32> to vector<1024x1024xf32>
    %eq3A_159 = vector.broadcast %convert_element_type3A_114 : vector<1x1024xf32> to vector<1024x1024xf32>
    %eq3A_160 = arith.cmpf oeq, %eq3A_158, %eq3A_159 : vector<1024x1024xf32>
    %convert_element_type3A_161 = arith.extui %eq3A_160 : vector<1024x1024xi1> to vector<1024x1024xi32>
    %convert_element_type3A_162 = arith.sitofp %convert_element_type3A_161 : vector<1024x1024xi32> to vector<1024x1024xf32>
    %dot_general3A_163 = arith.constant dense<0.000000e+00> : vector<128x1024xf32>
    %dot_general3A_164 = tpu.matmul %div3A_155, %convert_element_type3A_162, %dot_general3A_163 {dimension_numbers = #tpu.dot_dimension_numbers<[1], [0], [0], [1], [0, 0, 1, 1], [], []>, transpose_lhs_hint = false} : vector<128x1024xf32>, vector<1024x1024xf32>, vector<128x1024xf32> -> vector<128x1024xf32>
    %slice3A_165 = vector.extract_strided_slice %dot_general3A_164 {offsets = [0, 0], sizes = [128, 256], strides = [1, 1]} : vector<128x1024xf32> to vector<128x256xf32>
    %slice3A_166 = vector.extract_strided_slice %dot_general3A_164 {offsets = [0, 256], sizes = [128, 256], strides = [1, 1]} : vector<128x1024xf32> to vector<128x256xf32>
    %slice3A_167 = vector.extract_strided_slice %dot_general3A_164 {offsets = [0, 512], sizes = [128, 512], strides = [1, 1]} : vector<128x1024xf32> to vector<128x512xf32>
    %mul3A_168 = arith.mulf %slice3A_165, %slice3A_166 : vector<128x256xf32>
    %reduce_sum3A_169 = arith.constant dense<0.000000e+00> : vector<256xf32>
    %reduce_sum3A_170 = vector.multi_reduction <add>, %mul3A_168, %reduce_sum3A_169 [0] : vector<128x256xf32> to vector<256xf32>
    %broadcast_in_dim3A_171 = vector.shape_cast %reduce_sum3A_170 : vector<256xf32> to vector<1x256xf32>
    %mul3A_172 = arith.constant 14.2857141 : f32
    %mul3A_173 = vector.broadcast %mul3A_172 : f32 to vector<1x256xf32>
    %mul3A_174 = arith.mulf %broadcast_in_dim3A_171, %mul3A_173 : vector<1x256xf32>
    %dot_general3A_175 = arith.constant dense<0.000000e+00> : vector<512x256xf32>
    %dot_general3A_176 = tpu.matmul %slice3A_167, %slice3A_165, %dot_general3A_175 {dimension_numbers = #tpu.dot_dimension_numbers<[0], [0], [1], [1], [0, 1, 1, 1], [], []>, transpose_lhs_hint = false} : vector<128x512xf32>, vector<128x256xf32>, vector<512x256xf32> -> vector<512x256xf32>
    %mul3A_177 = arith.constant 14.2857141 : f32
    %mul3A_178 = vector.broadcast %mul3A_177 : f32 to vector<512x256xf32>
    %mul3A_179 = arith.mulf %dot_general3A_176, %mul3A_178 : vector<512x256xf32>
    %reduce_max3A_180 = arith.constant dense<0xFF800000> : vector<256xf32>
    %reduce_max3A_181 = vector.multi_reduction <maximumf>, %mul3A_179, %reduce_max3A_180 [0] : vector<512x256xf32> to vector<256xf32>
    %broadcast_in_dim3A_182 = vector.shape_cast %reduce_max3A_181 : vector<256xf32> to vector<1x256xf32>
    %max3A_183 = arith.maximumf %broadcast_in_dim3A_182, %mul3A_174 : vector<1x256xf32>
    %sub3A_184 = vector.broadcast %max3A_183 : vector<1x256xf32> to vector<512x256xf32>
    %sub3A_185 = arith.subf %mul3A_179, %sub3A_184 : vector<512x256xf32>
    %exp3A_186 = math.exp %sub3A_185 : vector<512x256xf32>
    %reduce_sum3A_187 = arith.constant dense<0.000000e+00> : vector<256xf32>
    %reduce_sum3A_188 = vector.multi_reduction <add>, %exp3A_186, %reduce_sum3A_187 [0] : vector<512x256xf32> to vector<256xf32>
    %broadcast_in_dim3A_189 = vector.shape_cast %reduce_sum3A_188 : vector<256xf32> to vector<1x256xf32>
    %sub3A_190 = arith.subf %mul3A_174, %max3A_183 : vector<1x256xf32>
    %exp3A_191 = math.exp %sub3A_190 : vector<1x256xf32>
    %add3A_192 = arith.addf %broadcast_in_dim3A_189, %exp3A_191 : vector<1x256xf32>
    %log3A_193 = math.log %add3A_192 : vector<1x256xf32>
    %add3A_194 = arith.addf %max3A_183, %log3A_193 : vector<1x256xf32>
    %sub3A_195 = arith.subf %add3A_194, %mul3A_174 : vector<1x256xf32>
    %reduce_sum3A_196 = vector.shape_cast %sub3A_195 : vector<1x256xf32> to vector<1x1x256xf32>
    %reduce_sum3A_197 = arith.constant dense<0.000000e+00> : vector<1xf32>
    %reduce_sum3A_198 = vector.multi_reduction <add>, %reduce_sum3A_196, %reduce_sum3A_197 [1, 2] : vector<1x1x256xf32> to vector<1xf32>
    %reduce_sum3A_199 = vector.shape_cast %reduce_sum3A_198 : vector<1xf32> to vector<1x1x1xf32>
    %reduce_sum3A_200 = vector.extract %reduce_sum3A_199[0, 0, 0] : f32 from vector<1x1x1xf32>
    %div3A_201 = arith.constant 2.560000e+02 : f32
    %div3A_202 = arith.divf %reduce_sum3A_200, %div3A_201 : f32
    %slice3A_203 = vector.extract_strided_slice %convert_element_type3A_114 {offsets = [0, 0], sizes = [1, 256], strides = [1, 1]} : vector<1x1024xf32> to vector<1x256xf32>
    %reduce_sum3A_204 = vector.shape_cast %slice3A_203 : vector<1x256xf32> to vector<1x1x256xf32>
    %reduce_sum3A_205 = arith.constant dense<0.000000e+00> : vector<1xf32>
    %reduce_sum3A_206 = vector.multi_reduction <add>, %reduce_sum3A_204, %reduce_sum3A_205 [1, 2] : vector<1x1x256xf32> to vector<1xf32>
    %reduce_sum3A_207 = vector.shape_cast %reduce_sum3A_206 : vector<1xf32> to vector<1x1x1xf32>
    %reduce_sum3A_208 = vector.extract %reduce_sum3A_207[0, 0, 0] : f32 from vector<1x1x1xf32>
    %gt3A_209 = arith.constant 0.000000e+00 : f32
    %gt3A_210 = arith.cmpf ogt, %reduce_sum3A_208, %gt3A_209 : f32
    %convert_element_type3A_211 = arith.extui %gt3A_210 : i1 to i32
    %convert_element_type3A_212 = arith.sitofp %convert_element_type3A_211 : i32 to f32
    %get3A_213 = arith.constant 0 : index
    %get3A_214 = memref.load %arg8[%get3A_213] : memref<2xf32, #tpu.memory_space<smem>>
    %mul3A_215 = arith.mulf %convert_element_type3A_212, %div3A_202 : f32
    %add3A_216 = arith.addf %get3A_214, %mul3A_215 : f32
    %swap3A_217 = arith.constant 0 : index
    %swap3A_218 = memref.load %arg8[%swap3A_217] : memref<2xf32, #tpu.memory_space<smem>>
    memref.store %add3A_216, %arg8[%swap3A_217] : memref<2xf32, #tpu.memory_space<smem>>
    %get3A_219 = arith.constant 1 : index
    %get3A_220 = memref.load %arg8[%get3A_219] : memref<2xf32, #tpu.memory_space<smem>>
    %add3A_221 = arith.addf %get3A_220, %convert_element_type3A_212 : f32
    %swap3A_222 = arith.constant 1 : index
    %swap3A_223 = memref.load %arg8[%swap3A_222] : memref<2xf32, #tpu.memory_space<smem>>
    memref.store %add3A_221, %arg8[%swap3A_222] : memref<2xf32, #tpu.memory_space<smem>>
    %get3A_224 = arith.constant 2 : index
    %get3A_225 = arith.constant 0 : index
    %get3A_226 = arith.constant 0 : index
    %get3A_227 = vector.load %arg1[%get3A_224, %get3A_225, %get3A_226] : memref<4x384x1024xf32, #tpu.memory_space<vmem>>, vector<1x384x1024xf32>
    %get3A_228 = vector.shape_cast %get3A_227 : vector<1x384x1024xf32> to vector<384x1024xf32>
    %get3A_229 = arith.constant 2 : index
    %get3A_230 = arith.constant 0 : index
    %get3A_231 = arith.constant 0 : index
    %get3A_232 = vector.load %arg2[%get3A_229, %get3A_230, %get3A_231] : memref<4x1x1024xi32, #tpu.memory_space<vmem>>, vector<1x1x1024xi32>
    %get3A_233 = vector.shape_cast %get3A_232 : vector<1x1x1024xi32> to vector<1x1024xi32>
    %convert_element_type3A_234 = arith.sitofp %get3A_233 : vector<1x1024xi32> to vector<1x1024xf32>
    %get3A_235 = arith.constant 0 : index
    %get3A_236 = arith.constant 0 : index
    %get3A_237 = vector.load %arg3[%get3A_235, %get3A_236] : memref<384x384xf32, #tpu.memory_space<vmem>>, vector<384x384xf32>
    %dot_general3A_238 = arith.constant dense<0.000000e+00> : vector<384x1024xf32>
    %dot_general3A_239 = tpu.matmul %get3A_237, %get3A_228, %dot_general3A_238 {dimension_numbers = #tpu.dot_dimension_numbers<[1], [0], [0], [1], [0, 0, 1, 1], [], []>, transpose_lhs_hint = false} : vector<384x384xf32>, vector<384x1024xf32>, vector<384x1024xf32> -> vector<384x1024xf32>
    %get3A_240 = arith.constant 0 : index
    %get3A_241 = arith.constant 0 : index
    %get3A_242 = vector.load %arg4[%get3A_240, %get3A_241] : memref<384x1xf32, #tpu.memory_space<vmem>>, vector<384x1xf32>
    %add3A_243 = vector.broadcast %get3A_242 : vector<384x1xf32> to vector<384x1024xf32>
    %add3A_244 = arith.addf %dot_general3A_239, %add3A_243 : vector<384x1024xf32>
    %mul3A_245 = arith.constant 5.000000e-01 : f32
    %mul3A_246 = vector.broadcast %mul3A_245 : f32 to vector<384x1024xf32>
    %mul3A_247 = arith.mulf %mul3A_246, %add3A_244 : vector<384x1024xf32>
    %mul3A_248 = arith.constant 0.707106769 : f32
    %mul3A_249 = vector.broadcast %mul3A_248 : f32 to vector<384x1024xf32>
    %mul3A_250 = arith.mulf %add3A_244, %mul3A_249 : vector<384x1024xf32>
    %erf3A_251 = math.erf %mul3A_250 : vector<384x1024xf32>
    %add3A_252 = arith.constant 1.000000e+00 : f32
    %add3A_253 = vector.broadcast %add3A_252 : f32 to vector<384x1024xf32>
    %add3A_254 = arith.addf %add3A_253, %erf3A_251 : vector<384x1024xf32>
    %mul3A_255 = arith.mulf %mul3A_247, %add3A_254 : vector<384x1024xf32>
    %get3A_256 = arith.constant 0 : index
    %get3A_257 = arith.constant 0 : index
    %get3A_258 = vector.load %arg5[%get3A_256, %get3A_257] : memref<128x384xf32, #tpu.memory_space<vmem>>, vector<128x384xf32>
    %dot_general3A_259 = arith.constant dense<0.000000e+00> : vector<128x1024xf32>
    %dot_general3A_260 = tpu.matmul %get3A_258, %mul3A_255, %dot_general3A_259 {dimension_numbers = #tpu.dot_dimension_numbers<[1], [0], [0], [1], [0, 0, 1, 1], [], []>, transpose_lhs_hint = false} : vector<128x384xf32>, vector<384x1024xf32>, vector<128x1024xf32> -> vector<128x1024xf32>
    %get3A_261 = arith.constant 0 : index
    %get3A_262 = arith.constant 0 : index
    %get3A_263 = vector.load %arg6[%get3A_261, %get3A_262] : memref<128x1xf32, #tpu.memory_space<vmem>>, vector<128x1xf32>
    %add3A_264 = vector.broadcast %get3A_263 : vector<128x1xf32> to vector<128x1024xf32>
    %add3A_265 = arith.addf %dot_general3A_260, %add3A_264 : vector<128x1024xf32>
    %mul3A_266 = arith.mulf %add3A_265, %add3A_265 : vector<128x1024xf32>
    %reduce_sum3A_267 = arith.constant dense<0.000000e+00> : vector<1024xf32>
    %reduce_sum3A_268 = vector.multi_reduction <add>, %mul3A_266, %reduce_sum3A_267 [0] : vector<128x1024xf32> to vector<1024xf32>
    %broadcast_in_dim3A_269 = vector.shape_cast %reduce_sum3A_268 : vector<1024xf32> to vector<1x1024xf32>
    %sqrt3A_270 = math.sqrt %broadcast_in_dim3A_269 : vector<1x1024xf32>
    %max3A_271 = arith.constant 9.99999996E-13 : f32
    %max3A_272 = vector.broadcast %max3A_271 : f32 to vector<1x1024xf32>
    %max3A_273 = arith.maximumf %sqrt3A_270, %max3A_272 : vector<1x1024xf32>
    %div3A_274 = vector.broadcast %max3A_273 : vector<1x1024xf32> to vector<128x1024xf32>
    %div3A_275 = arith.divf %add3A_265, %div3A_274 : vector<128x1024xf32>
    %iota3A_276 = tpu.iota {dimensions = array<i32: 0>} : vector<1024x1xi32>
    %convert_element_type3A_277 = arith.sitofp %iota3A_276 : vector<1024x1xi32> to vector<1024x1xf32>
    %eq3A_278 = vector.broadcast %convert_element_type3A_277 : vector<1024x1xf32> to vector<1024x1024xf32>
    %eq3A_279 = vector.broadcast %convert_element_type3A_234 : vector<1x1024xf32> to vector<1024x1024xf32>
    %eq3A_280 = arith.cmpf oeq, %eq3A_278, %eq3A_279 : vector<1024x1024xf32>
    %convert_element_type3A_281 = arith.extui %eq3A_280 : vector<1024x1024xi1> to vector<1024x1024xi32>
    %convert_element_type3A_282 = arith.sitofp %convert_element_type3A_281 : vector<1024x1024xi32> to vector<1024x1024xf32>
    %dot_general3A_283 = arith.constant dense<0.000000e+00> : vector<128x1024xf32>
    %dot_general3A_284 = tpu.matmul %div3A_275, %convert_element_type3A_282, %dot_general3A_283 {dimension_numbers = #tpu.dot_dimension_numbers<[1], [0], [0], [1], [0, 0, 1, 1], [], []>, transpose_lhs_hint = false} : vector<128x1024xf32>, vector<1024x1024xf32>, vector<128x1024xf32> -> vector<128x1024xf32>
    %slice3A_285 = vector.extract_strided_slice %dot_general3A_284 {offsets = [0, 0], sizes = [128, 256], strides = [1, 1]} : vector<128x1024xf32> to vector<128x256xf32>
    %slice3A_286 = vector.extract_strided_slice %dot_general3A_284 {offsets = [0, 256], sizes = [128, 256], strides = [1, 1]} : vector<128x1024xf32> to vector<128x256xf32>
    %slice3A_287 = vector.extract_strided_slice %dot_general3A_284 {offsets = [0, 512], sizes = [128, 512], strides = [1, 1]} : vector<128x1024xf32> to vector<128x512xf32>
    %mul3A_288 = arith.mulf %slice3A_285, %slice3A_286 : vector<128x256xf32>
    %reduce_sum3A_289 = arith.constant dense<0.000000e+00> : vector<256xf32>
    %reduce_sum3A_290 = vector.multi_reduction <add>, %mul3A_288, %reduce_sum3A_289 [0] : vector<128x256xf32> to vector<256xf32>
    %broadcast_in_dim3A_291 = vector.shape_cast %reduce_sum3A_290 : vector<256xf32> to vector<1x256xf32>
    %mul3A_292 = arith.constant 14.2857141 : f32
    %mul3A_293 = vector.broadcast %mul3A_292 : f32 to vector<1x256xf32>
    %mul3A_294 = arith.mulf %broadcast_in_dim3A_291, %mul3A_293 : vector<1x256xf32>
    %dot_general3A_295 = arith.constant dense<0.000000e+00> : vector<512x256xf32>
    %dot_general3A_296 = tpu.matmul %slice3A_287, %slice3A_285, %dot_general3A_295 {dimension_numbers = #tpu.dot_dimension_numbers<[0], [0], [1], [1], [0, 1, 1, 1], [], []>, transpose_lhs_hint = false} : vector<128x512xf32>, vector<128x256xf32>, vector<512x256xf32> -> vector<512x256xf32>
    %mul3A_297 = arith.constant 14.2857141 : f32
    %mul3A_298 = vector.broadcast %mul3A_297 : f32 to vector<512x256xf32>
    %mul3A_299 = arith.mulf %dot_general3A_296, %mul3A_298 : vector<512x256xf32>
    %reduce_max3A_300 = arith.constant dense<0xFF800000> : vector<256xf32>
    %reduce_max3A_301 = vector.multi_reduction <maximumf>, %mul3A_299, %reduce_max3A_300 [0] : vector<512x256xf32> to vector<256xf32>
    %broadcast_in_dim3A_302 = vector.shape_cast %reduce_max3A_301 : vector<256xf32> to vector<1x256xf32>
    %max3A_303 = arith.maximumf %broadcast_in_dim3A_302, %mul3A_294 : vector<1x256xf32>
    %sub3A_304 = vector.broadcast %max3A_303 : vector<1x256xf32> to vector<512x256xf32>
    %sub3A_305 = arith.subf %mul3A_299, %sub3A_304 : vector<512x256xf32>
    %exp3A_306 = math.exp %sub3A_305 : vector<512x256xf32>
    %reduce_sum3A_307 = arith.constant dense<0.000000e+00> : vector<256xf32>
    %reduce_sum3A_308 = vector.multi_reduction <add>, %exp3A_306, %reduce_sum3A_307 [0] : vector<512x256xf32> to vector<256xf32>
    %broadcast_in_dim3A_309 = vector.shape_cast %reduce_sum3A_308 : vector<256xf32> to vector<1x256xf32>
    %sub3A_310 = arith.subf %mul3A_294, %max3A_303 : vector<1x256xf32>
    %exp3A_311 = math.exp %sub3A_310 : vector<1x256xf32>
    %add3A_312 = arith.addf %broadcast_in_dim3A_309, %exp3A_311 : vector<1x256xf32>
    %log3A_313 = math.log %add3A_312 : vector<1x256xf32>
    %add3A_314 = arith.addf %max3A_303, %log3A_313 : vector<1x256xf32>
    %sub3A_315 = arith.subf %add3A_314, %mul3A_294 : vector<1x256xf32>
    %reduce_sum3A_316 = vector.shape_cast %sub3A_315 : vector<1x256xf32> to vector<1x1x256xf32>
    %reduce_sum3A_317 = arith.constant dense<0.000000e+00> : vector<1xf32>
    %reduce_sum3A_318 = vector.multi_reduction <add>, %reduce_sum3A_316, %reduce_sum3A_317 [1, 2] : vector<1x1x256xf32> to vector<1xf32>
    %reduce_sum3A_319 = vector.shape_cast %reduce_sum3A_318 : vector<1xf32> to vector<1x1x1xf32>
    %reduce_sum3A_320 = vector.extract %reduce_sum3A_319[0, 0, 0] : f32 from vector<1x1x1xf32>
    %div3A_321 = arith.constant 2.560000e+02 : f32
    %div3A_322 = arith.divf %reduce_sum3A_320, %div3A_321 : f32
    %slice3A_323 = vector.extract_strided_slice %convert_element_type3A_234 {offsets = [0, 0], sizes = [1, 256], strides = [1, 1]} : vector<1x1024xf32> to vector<1x256xf32>
    %reduce_sum3A_324 = vector.shape_cast %slice3A_323 : vector<1x256xf32> to vector<1x1x256xf32>
    %reduce_sum3A_325 = arith.constant dense<0.000000e+00> : vector<1xf32>
    %reduce_sum3A_326 = vector.multi_reduction <add>, %reduce_sum3A_324, %reduce_sum3A_325 [1, 2] : vector<1x1x256xf32> to vector<1xf32>
    %reduce_sum3A_327 = vector.shape_cast %reduce_sum3A_326 : vector<1xf32> to vector<1x1x1xf32>
    %reduce_sum3A_328 = vector.extract %reduce_sum3A_327[0, 0, 0] : f32 from vector<1x1x1xf32>
    %gt3A_329 = arith.constant 0.000000e+00 : f32
    %gt3A_330 = arith.cmpf ogt, %reduce_sum3A_328, %gt3A_329 : f32
    %convert_element_type3A_331 = arith.extui %gt3A_330 : i1 to i32
    %convert_element_type3A_332 = arith.sitofp %convert_element_type3A_331 : i32 to f32
    %get3A_333 = arith.constant 0 : index
    %get3A_334 = memref.load %arg8[%get3A_333] : memref<2xf32, #tpu.memory_space<smem>>
    %mul3A_335 = arith.mulf %convert_element_type3A_332, %div3A_322 : f32
    %add3A_336 = arith.addf %get3A_334, %mul3A_335 : f32
    %swap3A_337 = arith.constant 0 : index
    %swap3A_338 = memref.load %arg8[%swap3A_337] : memref<2xf32, #tpu.memory_space<smem>>
    memref.store %add3A_336, %arg8[%swap3A_337] : memref<2xf32, #tpu.memory_space<smem>>
    %get3A_339 = arith.constant 1 : index
    %get3A_340 = memref.load %arg8[%get3A_339] : memref<2xf32, #tpu.memory_space<smem>>
    %add3A_341 = arith.addf %get3A_340, %convert_element_type3A_332 : f32
    %swap3A_342 = arith.constant 1 : index
    %swap3A_343 = memref.load %arg8[%swap3A_342] : memref<2xf32, #tpu.memory_space<smem>>
    memref.store %add3A_341, %arg8[%swap3A_342] : memref<2xf32, #tpu.memory_space<smem>>
    %get3A_344 = arith.constant 3 : index
    %get3A_345 = arith.constant 0 : index
    %get3A_346 = arith.constant 0 : index
    %get3A_347 = vector.load %arg1[%get3A_344, %get3A_345, %get3A_346] : memref<4x384x1024xf32, #tpu.memory_space<vmem>>, vector<1x384x1024xf32>
    %get3A_348 = vector.shape_cast %get3A_347 : vector<1x384x1024xf32> to vector<384x1024xf32>
    %get3A_349 = arith.constant 3 : index
    %get3A_350 = arith.constant 0 : index
    %get3A_351 = arith.constant 0 : index
    %get3A_352 = vector.load %arg2[%get3A_349, %get3A_350, %get3A_351] : memref<4x1x1024xi32, #tpu.memory_space<vmem>>, vector<1x1x1024xi32>
    %get3A_353 = vector.shape_cast %get3A_352 : vector<1x1x1024xi32> to vector<1x1024xi32>
    %convert_element_type3A_354 = arith.sitofp %get3A_353 : vector<1x1024xi32> to vector<1x1024xf32>
    %get3A_355 = arith.constant 0 : index
    %get3A_356 = arith.constant 0 : index
    %get3A_357 = vector.load %arg3[%get3A_355, %get3A_356] : memref<384x384xf32, #tpu.memory_space<vmem>>, vector<384x384xf32>
    %dot_general3A_358 = arith.constant dense<0.000000e+00> : vector<384x1024xf32>
    %dot_general3A_359 = tpu.matmul %get3A_357, %get3A_348, %dot_general3A_358 {dimension_numbers = #tpu.dot_dimension_numbers<[1], [0], [0], [1], [0, 0, 1, 1], [], []>, transpose_lhs_hint = false} : vector<384x384xf32>, vector<384x1024xf32>, vector<384x1024xf32> -> vector<384x1024xf32>
    %get3A_360 = arith.constant 0 : index
    %get3A_361 = arith.constant 0 : index
    %get3A_362 = vector.load %arg4[%get3A_360, %get3A_361] : memref<384x1xf32, #tpu.memory_space<vmem>>, vector<384x1xf32>
    %add3A_363 = vector.broadcast %get3A_362 : vector<384x1xf32> to vector<384x1024xf32>
    %add3A_364 = arith.addf %dot_general3A_359, %add3A_363 : vector<384x1024xf32>
    %mul3A_365 = arith.constant 5.000000e-01 : f32
    %mul3A_366 = vector.broadcast %mul3A_365 : f32 to vector<384x1024xf32>
    %mul3A_367 = arith.mulf %mul3A_366, %add3A_364 : vector<384x1024xf32>
    %mul3A_368 = arith.constant 0.707106769 : f32
    %mul3A_369 = vector.broadcast %mul3A_368 : f32 to vector<384x1024xf32>
    %mul3A_370 = arith.mulf %add3A_364, %mul3A_369 : vector<384x1024xf32>
    %erf3A_371 = math.erf %mul3A_370 : vector<384x1024xf32>
    %add3A_372 = arith.constant 1.000000e+00 : f32
    %add3A_373 = vector.broadcast %add3A_372 : f32 to vector<384x1024xf32>
    %add3A_374 = arith.addf %add3A_373, %erf3A_371 : vector<384x1024xf32>
    %mul3A_375 = arith.mulf %mul3A_367, %add3A_374 : vector<384x1024xf32>
    %get3A_376 = arith.constant 0 : index
    %get3A_377 = arith.constant 0 : index
    %get3A_378 = vector.load %arg5[%get3A_376, %get3A_377] : memref<128x384xf32, #tpu.memory_space<vmem>>, vector<128x384xf32>
    %dot_general3A_379 = arith.constant dense<0.000000e+00> : vector<128x1024xf32>
    %dot_general3A_380 = tpu.matmul %get3A_378, %mul3A_375, %dot_general3A_379 {dimension_numbers = #tpu.dot_dimension_numbers<[1], [0], [0], [1], [0, 0, 1, 1], [], []>, transpose_lhs_hint = false} : vector<128x384xf32>, vector<384x1024xf32>, vector<128x1024xf32> -> vector<128x1024xf32>
    %get3A_381 = arith.constant 0 : index
    %get3A_382 = arith.constant 0 : index
    %get3A_383 = vector.load %arg6[%get3A_381, %get3A_382] : memref<128x1xf32, #tpu.memory_space<vmem>>, vector<128x1xf32>
    %add3A_384 = vector.broadcast %get3A_383 : vector<128x1xf32> to vector<128x1024xf32>
    %add3A_385 = arith.addf %dot_general3A_380, %add3A_384 : vector<128x1024xf32>
    %mul3A_386 = arith.mulf %add3A_385, %add3A_385 : vector<128x1024xf32>
    %reduce_sum3A_387 = arith.constant dense<0.000000e+00> : vector<1024xf32>
    %reduce_sum3A_388 = vector.multi_reduction <add>, %mul3A_386, %reduce_sum3A_387 [0] : vector<128x1024xf32> to vector<1024xf32>
    %broadcast_in_dim3A_389 = vector.shape_cast %reduce_sum3A_388 : vector<1024xf32> to vector<1x1024xf32>
    %sqrt3A_390 = math.sqrt %broadcast_in_dim3A_389 : vector<1x1024xf32>
    %max3A_391 = arith.constant 9.99999996E-13 : f32
    %max3A_392 = vector.broadcast %max3A_391 : f32 to vector<1x1024xf32>
    %max3A_393 = arith.maximumf %sqrt3A_390, %max3A_392 : vector<1x1024xf32>
    %div3A_394 = vector.broadcast %max3A_393 : vector<1x1024xf32> to vector<128x1024xf32>
    %div3A_395 = arith.divf %add3A_385, %div3A_394 : vector<128x1024xf32>
    %iota3A_396 = tpu.iota {dimensions = array<i32: 0>} : vector<1024x1xi32>
    %convert_element_type3A_397 = arith.sitofp %iota3A_396 : vector<1024x1xi32> to vector<1024x1xf32>
    %eq3A_398 = vector.broadcast %convert_element_type3A_397 : vector<1024x1xf32> to vector<1024x1024xf32>
    %eq3A_399 = vector.broadcast %convert_element_type3A_354 : vector<1x1024xf32> to vector<1024x1024xf32>
    %eq3A_400 = arith.cmpf oeq, %eq3A_398, %eq3A_399 : vector<1024x1024xf32>
    %convert_element_type3A_401 = arith.extui %eq3A_400 : vector<1024x1024xi1> to vector<1024x1024xi32>
    %convert_element_type3A_402 = arith.sitofp %convert_element_type3A_401 : vector<1024x1024xi32> to vector<1024x1024xf32>
    %dot_general3A_403 = arith.constant dense<0.000000e+00> : vector<128x1024xf32>
    %dot_general3A_404 = tpu.matmul %div3A_395, %convert_element_type3A_402, %dot_general3A_403 {dimension_numbers = #tpu.dot_dimension_numbers<[1], [0], [0], [1], [0, 0, 1, 1], [], []>, transpose_lhs_hint = false} : vector<128x1024xf32>, vector<1024x1024xf32>, vector<128x1024xf32> -> vector<128x1024xf32>
    %slice3A_405 = vector.extract_strided_slice %dot_general3A_404 {offsets = [0, 0], sizes = [128, 256], strides = [1, 1]} : vector<128x1024xf32> to vector<128x256xf32>
    %slice3A_406 = vector.extract_strided_slice %dot_general3A_404 {offsets = [0, 256], sizes = [128, 256], strides = [1, 1]} : vector<128x1024xf32> to vector<128x256xf32>
    %slice3A_407 = vector.extract_strided_slice %dot_general3A_404 {offsets = [0, 512], sizes = [128, 512], strides = [1, 1]} : vector<128x1024xf32> to vector<128x512xf32>
    %mul3A_408 = arith.mulf %slice3A_405, %slice3A_406 : vector<128x256xf32>
    %reduce_sum3A_409 = arith.constant dense<0.000000e+00> : vector<256xf32>
    %reduce_sum3A_410 = vector.multi_reduction <add>, %mul3A_408, %reduce_sum3A_409 [0] : vector<128x256xf32> to vector<256xf32>
    %broadcast_in_dim3A_411 = vector.shape_cast %reduce_sum3A_410 : vector<256xf32> to vector<1x256xf32>
    %mul3A_412 = arith.constant 14.2857141 : f32
    %mul3A_413 = vector.broadcast %mul3A_412 : f32 to vector<1x256xf32>
    %mul3A_414 = arith.mulf %broadcast_in_dim3A_411, %mul3A_413 : vector<1x256xf32>
    %dot_general3A_415 = arith.constant dense<0.000000e+00> : vector<512x256xf32>
    %dot_general3A_416 = tpu.matmul %slice3A_407, %slice3A_405, %dot_general3A_415 {dimension_numbers = #tpu.dot_dimension_numbers<[0], [0], [1], [1], [0, 1, 1, 1], [], []>, transpose_lhs_hint = false} : vector<128x512xf32>, vector<128x256xf32>, vector<512x256xf32> -> vector<512x256xf32>
    %mul3A_417 = arith.constant 14.2857141 : f32
    %mul3A_418 = vector.broadcast %mul3A_417 : f32 to vector<512x256xf32>
    %mul3A_419 = arith.mulf %dot_general3A_416, %mul3A_418 : vector<512x256xf32>
    %reduce_max3A_420 = arith.constant dense<0xFF800000> : vector<256xf32>
    %reduce_max3A_421 = vector.multi_reduction <maximumf>, %mul3A_419, %reduce_max3A_420 [0] : vector<512x256xf32> to vector<256xf32>
    %broadcast_in_dim3A_422 = vector.shape_cast %reduce_max3A_421 : vector<256xf32> to vector<1x256xf32>
    %max3A_423 = arith.maximumf %broadcast_in_dim3A_422, %mul3A_414 : vector<1x256xf32>
    %sub3A_424 = vector.broadcast %max3A_423 : vector<1x256xf32> to vector<512x256xf32>
    %sub3A_425 = arith.subf %mul3A_419, %sub3A_424 : vector<512x256xf32>
    %exp3A_426 = math.exp %sub3A_425 : vector<512x256xf32>
    %reduce_sum3A_427 = arith.constant dense<0.000000e+00> : vector<256xf32>
    %reduce_sum3A_428 = vector.multi_reduction <add>, %exp3A_426, %reduce_sum3A_427 [0] : vector<512x256xf32> to vector<256xf32>
    %broadcast_in_dim3A_429 = vector.shape_cast %reduce_sum3A_428 : vector<256xf32> to vector<1x256xf32>
    %sub3A_430 = arith.subf %mul3A_414, %max3A_423 : vector<1x256xf32>
    %exp3A_431 = math.exp %sub3A_430 : vector<1x256xf32>
    %add3A_432 = arith.addf %broadcast_in_dim3A_429, %exp3A_431 : vector<1x256xf32>
    %log3A_433 = math.log %add3A_432 : vector<1x256xf32>
    %add3A_434 = arith.addf %max3A_423, %log3A_433 : vector<1x256xf32>
    %sub3A_435 = arith.subf %add3A_434, %mul3A_414 : vector<1x256xf32>
    %reduce_sum3A_436 = vector.shape_cast %sub3A_435 : vector<1x256xf32> to vector<1x1x256xf32>
    %reduce_sum3A_437 = arith.constant dense<0.000000e+00> : vector<1xf32>
    %reduce_sum3A_438 = vector.multi_reduction <add>, %reduce_sum3A_436, %reduce_sum3A_437 [1, 2] : vector<1x1x256xf32> to vector<1xf32>
    %reduce_sum3A_439 = vector.shape_cast %reduce_sum3A_438 : vector<1xf32> to vector<1x1x1xf32>
    %reduce_sum3A_440 = vector.extract %reduce_sum3A_439[0, 0, 0] : f32 from vector<1x1x1xf32>
    %div3A_441 = arith.constant 2.560000e+02 : f32
    %div3A_442 = arith.divf %reduce_sum3A_440, %div3A_441 : f32
    %slice3A_443 = vector.extract_strided_slice %convert_element_type3A_354 {offsets = [0, 0], sizes = [1, 256], strides = [1, 1]} : vector<1x1024xf32> to vector<1x256xf32>
    %reduce_sum3A_444 = vector.shape_cast %slice3A_443 : vector<1x256xf32> to vector<1x1x256xf32>
    %reduce_sum3A_445 = arith.constant dense<0.000000e+00> : vector<1xf32>
    %reduce_sum3A_446 = vector.multi_reduction <add>, %reduce_sum3A_444, %reduce_sum3A_445 [1, 2] : vector<1x1x256xf32> to vector<1xf32>
    %reduce_sum3A_447 = vector.shape_cast %reduce_sum3A_446 : vector<1xf32> to vector<1x1x1xf32>
    %reduce_sum3A_448 = vector.extract %reduce_sum3A_447[0, 0, 0] : f32 from vector<1x1x1xf32>
    %gt3A_449 = arith.constant 0.000000e+00 : f32
    %gt3A_450 = arith.cmpf ogt, %reduce_sum3A_448, %gt3A_449 : f32
    %convert_element_type3A_451 = arith.extui %gt3A_450 : i1 to i32
    %convert_element_type3A_452 = arith.sitofp %convert_element_type3A_451 : i32 to f32
    %get3A_453 = arith.constant 0 : index
    %get3A_454 = memref.load %arg8[%get3A_453] : memref<2xf32, #tpu.memory_space<smem>>
    %mul3A_455 = arith.mulf %convert_element_type3A_452, %div3A_442 : f32
    %add3A_456 = arith.addf %get3A_454, %mul3A_455 : f32
    %swap3A_457 = arith.constant 0 : index
    %swap3A_458 = memref.load %arg8[%swap3A_457] : memref<2xf32, #tpu.memory_space<smem>>
    memref.store %add3A_456, %arg8[%swap3A_457] : memref<2xf32, #tpu.memory_space<smem>>
    %get3A_459 = arith.constant 1 : index
    %get3A_460 = memref.load %arg8[%get3A_459] : memref<2xf32, #tpu.memory_space<smem>>
    %add3A_461 = arith.addf %get3A_460, %convert_element_type3A_452 : f32
    %swap3A_462 = arith.constant 1 : index
    %swap3A_463 = memref.load %arg8[%swap3A_462] : memref<2xf32, #tpu.memory_space<smem>>
    memref.store %add3A_461, %arg8[%swap3A_462] : memref<2xf32, #tpu.memory_space<smem>>
    %eq3A_464 = arith.constant 3 : i32
    %eq3A_465 = arith.cmpi eq, %arg0, %eq3A_464 : i32
    %convert_element_type3A_466 = arith.extui %eq3A_465 : i1 to i32
    %cond3A_467 = arith.constant 0 : i32
    %cond3A_468 = arith.cmpi ne, %convert_element_type3A_466, %cond3A_467 : i32
    scf.if %cond3A_468 {
      %get3A_469 = arith.constant 0 : index
      %get3A_470 = memref.load %arg8[%get3A_469] : memref<2xf32, #tpu.memory_space<smem>>
      %get3A_471 = arith.constant 1 : index
      %get3A_472 = memref.load %arg8[%get3A_471] : memref<2xf32, #tpu.memory_space<smem>>
      %max3A_473 = arith.constant 1.000000e+00 : f32
      %max3A_474 = arith.maximumf %get3A_472, %max3A_473 : f32
      %div3A_475 = arith.divf %get3A_470, %max3A_474 : f32
      %swap3A_476 = arith.constant 0 : index
      %swap3A_477 = memref.load %arg7[%swap3A_476] : memref<1xf32, #tpu.memory_space<smem>>
      memref.store %div3A_475, %arg7[%swap3A_476] : memref<1xf32, #tpu.memory_space<smem>>
    } else {
    }
    return
  }
  func.func @transform_0(%arg0: i32) -> (i32, i32, i32) {
    %c0_i32 = arith.constant 0 : i32
    %c0_i32_0 = arith.constant 0 : i32
    %c0_i32_1 = arith.constant 0 : i32
    return %arg0, %c0_i32, %c0_i32_0 : i32, i32, i32
  }
  func.func @transform_1(%arg0: i32) -> (i32, i32, i32) {
    %c0_i32 = arith.constant 0 : i32
    %c0_i32_0 = arith.constant 0 : i32
    %c0_i32_1 = arith.constant 0 : i32
    return %arg0, %c0_i32, %c0_i32_0 : i32, i32, i32
  }
  func.func @transform_2(%arg0: i32) -> (i32, i32) {
    %c0_i32 = arith.constant 0 : i32
    %c0_i32_0 = arith.constant 0 : i32
    %c0_i32_1 = arith.constant 0 : i32
    return %c0_i32, %c0_i32_0 : i32, i32
  }
  func.func @transform_3(%arg0: i32) -> (i32, i32) {
    %c0_i32 = arith.constant 0 : i32
    %c0_i32_0 = arith.constant 0 : i32
    %c0_i32_1 = arith.constant 0 : i32
    return %c0_i32, %c0_i32_0 : i32, i32
  }
  func.func @transform_4(%arg0: i32) -> (i32, i32) {
    %c0_i32 = arith.constant 0 : i32
    %c0_i32_0 = arith.constant 0 : i32
    %c0_i32_1 = arith.constant 0 : i32
    return %c0_i32, %c0_i32_0 : i32, i32
  }
  func.func @transform_5(%arg0: i32) -> (i32, i32) {
    %c0_i32 = arith.constant 0 : i32
    %c0_i32_0 = arith.constant 0 : i32
    %c0_i32_1 = arith.constant 0 : i32
    return %c0_i32, %c0_i32_0 : i32, i32
  }
  func.func @transform_6(%arg0: i32) -> i32 {
    %c0_i32 = arith.constant 0 : i32
    %c0_i32_0 = arith.constant 0 : i32
    return %c0_i32 : i32
  }
}

</mosaic_0001>

<sc_bundles>
// kernel: kernel.4.cloned.1.call-start
scs
__scs_entry_jumppad:
0x0: {  	(pc) =	sbr.rel $0x88, $3  }
0x1: {  	(tag) =	ssettag $0x0;
	lr =	simm.s32 $0x1  }
0x2: {  	[smem:$0x3F9B] =	sst lr;
	_ =	strace $0xD0000000  }
0x3: {  	_ = 	snop  }
0x4: {  	_ = 	snop  }
0x5: {  	_ = 	snop  }
0x6: {  	_ = 	snop  }
0x7: {  	_ = 	snop  }
__scs_overlays_trampoline_lowered:
0x8: {  	[smem:$0x3FAA] =	sst s0  }
0x9: {  	[smem:$0x3FAB] =	sst s1  }
0xa: {  	[smem:$0x3FAC] =	sst s2  }
0xb: {  	[smem:$0x3FAD] =	sst s3  }
0xc: {  	[smem:$0x3FAE] =	sst s4  }
0xd: {  	[smem:$0x3FAF] =	sst s5  }
0xe: {  	[smem:$0x3FB0] =	sst s6  }
0xf: {  	[smem:$0x3FB1] =	sst s7  }
0x10: {  	[smem:$0x3FB2] =	sst s8  }
0x11: {  	[smem:$0x3FB3] =	sst s9;
	s0 =	simm.s32 @!p0 $0x0  }
0x12: {  	s1 =	sld [smem:$0x3F99];
	s0 =	simm.s32 @p0 $0x1  }
0x13: {  	[smem:$0x3FB4] =	sst s0;
	s0 =	simm.s32 @!p1 $0x0  }
0x14: {  	s2 =	sld [smem:$0x3F98];
	s0 =	simm.s32 @p1 $0x1  }
0x15: {  	[smem:$0x3FB5] =	sst s0;
	s0 =	simm.s32 @!p2 $0x0  }
0x16: {  	s3 =	sld [smem:$0x3FDB];
	s0 =	simm.s32 @p2 $0x1  }
0x17: {  	s4 =	simm.s32 $0x1BF5;
	[smem:$0x3FB7] =	sst s0  }
0x18: {  	s0 =	sld [smem:$0x3F9A];
	_ =	swait.ge [sflag:s4], $0x0  }
0x19: {  	s7 =	sld [smem:$0x3F9B]  }
0x1a: {  	s8 =	sadd.s32 $0xFFFFE003, lr  }
0x1b: {  	s9 =	sadd.s32 $0xFFFFFEF7, lr;
	s5 =	simm.s32 $0xFFFFFFFF;
	p2 =	slt.u32 s8, $0xFFFFF086  }
0x1c: {  	p1 =	slt.u32 s9, $0xF7A;
	s5 =	simm.s32 @!p2 $0x0  }
0x1d: {  	s5 =	simm.s32 @p1 $0x1;
	p0 =	seq.s32 s7, s2  }
0x1e: {  	s7 =	smul.u32 @!p0 $0xF7A, s2;
	p2 =	seq.s32 @!p0 s5, $0x0  }
0x1f: {  	s9 =	smul.u32 $0xF7A, s1;
	s8 =	simm.s32 @!p0 $0x1BF5;
	p2 =	por !p2, p0  }
0x20: {  	[sflag:s8] =	ssyncset.s32 @!p0 $0xFFFFF086;
	s6 =	sadd.s32 @!p0 s3, s7;
	s7 =	simm.s32 @!p0 $0x108  }
0x21: {  	s3 =	sadd.s32 s3, s9;
	s6 =	sadd.s32 @!p0 $0x88, s6;
	s7 =	simm.s32 @p2 $0x1082  }
0x22: {  	[simem:s7], [sflag:s8] =	dma.local @!p0 [hbm:s6], $0xF7A  }
0x23: {  	s9 =	sor.u32 $0xD0000000, s2;
	s6 =	simm.s32 $0x108;
	_ =	swait.ge @!p0 [sflag:s8], $0x0  }
0x24: {  	s3 =	sadd.s32 $0x88, s3;
	s6 =	simm.s32 @!p1 $0x1082;
	[sflag:s4] =	ssyncset.s32 $0xFFFFF086  }
0x25: {  	[simem:s6], [sflag:s4] =	dma.local [hbm:s3], $0xF7A  }
0x26: {  	[smem:$0x3F9B] =	sst s1;
	(tag) =	ssettag s2;
	_ =	strace s9  }
0x27: {  	s1 =	sld [smem:$0x3FAB]  }
0x28: {  	s2 =	sld [smem:$0x3FAC]  }
0x29: {  	s4 =	sld [smem:$0x3FAE]  }
0x2a: {  	p0 =	seq.s32 s5, $0x0;
	s5 =	sld [smem:$0x3FAF]  }
0x2b: {  	s6 =	sld [smem:$0x3FB0]  }
0x2c: {  	s7 =	sld [smem:$0x3FB1]  }
0x2d: {  	s3 =	simm.s32 $0x108;
	s8 =	sld [smem:$0x3FB2]  }
0x2e: {  	s3 =	simm.s32 @!p0 $0x1082;
	s9 =	sld [smem:$0x3FB3]  }
0x2f: {  	lr =	sadd.s32 s0, s3;
	s0 =	sld [smem:$0x3FAA]  }
0x30: {  	s3 =	sld [smem:$0x3FAD]  }
0x31: {  	[smem:$0x3FB6] =	sst s10  }
0x32: {  	s10 =	sld [smem:$0x3FB4];
	_ =	sdelay $0x3  }
0x33: {  	p0 =	seq.s32 s10, $0x1;
	s10 =	sld [smem:$0x3FB6];
	_ =	sdelay $0x3  }
0x34: {  	[smem:$0x3FB6] =	sst s10  }
0x35: {  	s10 =	sld [smem:$0x3FB5];
	_ =	sdelay $0x3  }
0x36: {  	p1 =	seq.s32 s10, $0x1;
	s10 =	sld [smem:$0x3FB6];
	_ =	sdelay $0x3  }
0x37: {  	[smem:$0x3FB6] =	sst s10  }
0x38: {  	s10 =	sld [smem:$0x3FB7]  }
0x39: {  	_ = 	snop;
	(pc) =	sbr.ind lr, $3  }
0x3a: {  	_ = 	snop  }
0x3b: {  	_ = 	snop  }
0x3c: {  	p2 =	seq.s32 s10, $0x1;
	s10 =	sld [smem:$0x3FB6]  }
0x3d: {  	_ =	shalt  }
0x3e: {  	_ =	shalt  }
0x3f: {  	_ =	shalt  }
0x40: {  	_ =	shalt  }
0x41: {  	_ =	shalt  }
0x42: {  	_ =	shalt  }
0x43: {  	_ =	shalt  }
0x44: {  	_ =	shalt  }
0x45: {  	_ =	shalt  }
0x46: {  	_ =	shalt  }
0x47: {  	_ =	shalt  }
0x48: {  	_ =	shalt  }
0x49: {  	_ =	shalt  }
0x4a: {  	_ =	shalt  }
0x4b: {  	_ =	shalt  }
0x4c: {  	_ =	shalt  }
0x4d: {  	_ =	shalt  }
0x4e: {  	_ =	shalt  }
0x4f: {  	_ =	shalt  }
0x50: {  	_ =	shalt  }
0x51: {  	_ =	shalt  }
0x52: {  	_ =	shalt  }
0x53: {  	_ =	shalt  }
0x54: {  	_ =	shalt  }
0x55: {  	_ =	shalt  }
0x56: {  	_ =	shalt  }
0x57: {  	_ =	shalt  }
0x58: {  	_ =	shalt  }
0x59: {  	_ =	shalt  }
0x5a: {  	_ =	shalt  }
0x5b: {  	_ =	shalt  }
0x5c: {  	_ =	shalt  }
0x5d: {  	_ =	shalt  }
0x5e: {  	_ =	shalt  }
0x5f: {  	_ =	shalt  }
0x60: {  	_ =	shalt  }
0x61: {  	_ =	shalt  }
0x62: {  	_ =	shalt  }
0x63: {  	_ =	shalt  }
0x64: {  	_ =	shalt  }
0x65: {  	_ =	shalt  }
0x66: {  	_ =	shalt  }
0x67: {  	_ =	shalt  }
0x68: {  	_ =	shalt  }
0x69: {  	_ =	shalt  }
0x6a: {  	_ =	shalt  }
0x6b: {  	_ =	shalt  }
0x6c: {  	_ =	shalt  }
0x6d: {  	_ =	shalt  }
0x6e: {  	_ =	shalt  }
0x6f: {  	_ =	shalt  }
0x70: {  	_ =	shalt  }
0x71: {  	_ =	shalt  }
0x72: {  	_ =	shalt  }
0x73: {  	_ =	shalt  }
0x74: {  	_ =	shalt  }
0x75: {  	_ =	shalt  }
0x76: {  	_ =	shalt  }
0x77: {  	_ =	shalt  }
0x78: {  	_ =	shalt  }
0x79: {  	_ =	shalt  }
0x7a: {  	_ =	shalt  }
0x7b: {  	_ =	shalt  }
0x7c: {  	_ =	shalt  }
0x7d: {  	_ =	shalt  }
0x7e: {  	_ =	shalt  }
0x7f: {  	_ =	shalt  }
0x80: {  	_ =	shalt  }
0x81: {  	_ =	shalt  }
0x82: {  	_ =	shalt  }
0x83: {  	_ =	shalt  }
0x84: {  	_ =	shalt  }
0x85: {  	_ =	shalt  }
0x86: {  	_ =	shalt  }
0x87: {  	_ =	shalt  }
.Lfunc_end0:
.L_simem_size_0:
called_computation_lowered:
.L_overlay_start_0:
0x88: {  	s2 =	sld [smem:$0x3FD9]  }
0x89: {  	s3 =	sld [smem:$0x3FFE];
	_ =	sdelay $0x1  }
0x8a: {  	s1 =	srdreg.scid  }
0x8b: {  	s0 =	sand.u32 $0x1, s1  }
0x8c: {  	s16 =	sshll.u32 s0, $0xA;
	s2 =	sadd.s32 s3, s2  }
0x8d: {  	s2 =	sadd.s32 s2, s16  }
0x8e: {  	[smem:$0x3FC2] =	sst s2  }
0x8f: {  	_ = 	snop  }
0x90: {  	(tm) =	ssettm $0x1  }
0x91: {  	s17 =	sld [smem:$0x3FFB];
	_ =	sdelay $0x3  }
0x92: {  	_ =	strace s17  }
0x93: {  	s2 =	sld [smem:$0x3FFC];
	_ =	sdelay $0x3  }
0x94: {  	_ =	strace s2  }
0x95: {  	s2 =	sld [smem:$0x3FFD];
	_ =	sdelay $0x3  }
0x96: {  	_ =	strace s2  }
0x97: {  	_ =	strace $0x8FFFFFFF  }
0x98: {  	s18 =	sld [smem:$0x3FDB];
	_ =	sdelay $0x1  }
0x99: {  	s19 =	simm.s32 $_scs_section_size  }
0x9a: {  	s4 =	simm.s32 $_size__tile_overlayer_lowered;
	s5 =	simm.s32 $_tile_overlayer_lowered  }
0x9b: {  	s22 =	simm.s32 $0x1BFF;
	s21 =	sshll.u32 s5, $0x1;
	s2 =	sadd.s32 s19, s18  }
0x9c: {  	s6 =	simm.s32 $0x0;
	s20 =	sshll.u32 s4, $0x1;
	s4 =	sadd.s32 s21, s2  }
0x9d: {  	[timem:s6], [sflag:s22] =	dma.local [hbm:s4], s20  }
0x9e: {  	_ =	swait.ge [sflag:s22], s20  }
0x9f: {  	s3 =	ssub.s32 $0x0, s20;
	[sflag:s22] =	ssyncset.done $0x0  }
0xa0: {  	[sflag:s22] =	ssyncadd.s32 s3;
	_ =	sdelay $0x1  }
0xa1: {  	s23 =	simm.s32 $0x1B8B  }
0xa2: {  	_ =	swait.ge [sflag:s23], $0x1  }
0xa3: {  	[sflag:s23] =	ssyncset.done $0x0  }
0xa4: {  	s25 =	simm.s32 $0x1B8E;
	s24 =	sld [smem:$0x3FFE];
	[sflag:s23] =	ssyncadd.s32 $0xFFFFFFFF  }
0xa5: {  	s26 =	simm.s32 $execute0_lowered;
	[smem:$0x3FD2] =	sst s25  }
0xa6: {  	s4 =	sshll.u32 s26, $0x1;
	_ =	strace $0x80000046;
	[dreg:$0x1] =	wrdreg $0xFFFFFFFF  }
0xa7: {  	s28 =	simm.s32 $_size_execute0_lowered;
	s2 =	sadd.s32 s2, s4;
	[dreg:$0x0] =	wrdreg $0x0  }
0xa8: {  	s4 =	sshll.u32 s28, $0x1;
	[dreg:$0x2] =	wrdreg s2  }
0xa9: {  	[dreg:$0x3] =	wrdreg s4  }
0xaa: {  	[dreg:$0x4] =	wrdreg $0xC0  }
0xab: {  	_ =	task [dreg:s6], $0x5FFFF  }
0xac: {  	[dreg:$0x1] =	wrdreg $0xFFFFFFFF  }
0xad: {  	[dreg:$0x0] =	wrdreg $0x60  }
0xae: {  	[dreg:$0x2] =	wrdreg s24  }
0xaf: {  	[dreg:$0x3] =	wrdreg $0x9  }
0xb0: {  	_ =	task.clear_ibuf [dreg:s6], $0x4FFFF;
	_ =	strace $0x90000046  }
0xb1: {  	s29 =	simm.s32 $0x9;
	_ =	strace $0x80000048  }
0xb2: {  	_ =	swait.ge [sflag:s29], $0x1  }
0xb3: {  	[sflag:s29] =	ssyncadd.s32 $0xFFFFFFFF  }
0xb4: {  	_ =	strace $0x90000048  }
0xb5: {  	_ =	sfence  }
0xb6: {  	s30 =	sld [smem:$0x0];
	_ =	sdelay $0x2  }
0xb7: {  	s31 =	sshll.u32 s1, $0xD;
	s1 =	sshrl.u32 s1, $0x2  }
0xb8: {  	s3 =	sand.u32 $0x4000, s31;
	s1 =	sadd.s32 s1, s30  }
0xb9: {  	s0 =	sor.u32 s3, s0;
	s1 =	sshll.u32 s1, $0x11  }
0xba: {  	s0 =	sor.u32 s1, s0  }
0xbb: {  	s0 =	sadd.s32 $0x8F2B, s0  }
0xbc: {  	[sflag:s0] =	ssyncadd.remote.s32 $0x1  }
0xbd: {  	_ =	sfence.sel $0xFFFF  }
0xbe: {  	[dreg:$0x0] =	wrdreg $0xFFFFFFFF;
	(pc) =	sbr.abs _section_cstart, $3  }
0xbf: {  	[dreg:$0x1] =	wrdreg $0xFFFFFFFF  }
0xc0: {  	_ =	task.clear_ibuf [dreg:s6], $0x2FFFF;
	_ =	strace $0x9FFFFFFF  }
0xc1: {  	(tm) =	ssettm $0x7FFFFFFF  }
tec
execute0_lowered:
.L_overlay_start_1:
0x0: {  	(tag) =	ssettag $0x1  }
0x1: {  	s0 =	srdreg.scid;
	s5 =	stileid.u32  }
0x2: {  	s2 =	simm.s32 $0x1;
	s0 =	sand.u32 $0x1, s0;
	s1 =	sshll.u32 s5, $0x1  }
0x3: {  	s3 =	rddreg [dreg:$0x0];
	s4 =	simm.s32 $0x0;
	s1 =	sor.u32 s0, s1  }
0x4: {  	s6 =	simm.s32 $0x1;
	p1 =	seq.s32 s0, $0x1;
	p0 =	seq.s32 s1, $0x0  }
0x5: {  	s28 =	simm.s32 $0x800;
	[smem:$0x7FF] =	sst s4;
	p0 =	por !p0, !p1  }
0x6: {  	_ =	strace $0x80000047;
	s1 =	sshll.u32 s1, $0x4;
	p0 =	por !p0, !p0  }
0x7: {  	s2 =	simm.s32 @!p0 $0x0;
	p0 =	seq.s32 s0, $0x0;
	s0 =	ssub.s32 $0x2, s0  }
0x8: {  	s2 =	ssub.s32 s5, s2;
	s5 =	sshll.u32 s5, $0x7;
	s29 =	sshrl.u32 s0, $0x1  }
0x9: {  	s26 =	sshll.u32 s2, $0xA;
	s2 =	sshll.u32 s2, $0x7;
	s1 =	sor.u32 s5, s1  }
0xa: {  	vm0 =	vmxor vm0, vm0;
	v0 =	vimm.s32 $0x0;
	v1 =	vlaneseq.u32;
	s0 =	ssub.s32 s0, s29;
	s4 =	sand.u32 $0xFFFFE000, s26;
	s1 =	sand.u32 $0x670, s1  }
0xb: {  	v2 =	vimm.s32 $0x10000;
	vm2 =	vcmask $0x704;
	vm3 =	vcmask $0xB08;
	s2 =	sand.u32 $0x380, s2;
	s0 =	smax.u32 s0, $0x1;
	s1 =	sadd.s32 s1, s3  }
0xc: {  	vm4 =	vcmask $0xF0C;
	vm5 =	vcmask $0x1310;
	vm6 =	vcmask $0x1714;
	s2 =	sor.u32 s2, s4;
	[smem:$0x7FD] =	sst s0;
	s30 =	sadd.s32 $0x1400, s1  }
0xd: {  	vm7 =	vcmask $0x1B18;
	vm8 =	vcmask $0x1F1C;
	vm9 =	vcmask $0x2320;
	s2 =	sshrl.u32 s2, $0x3;
	s31 =	sadd.s32 $0xC00, s1;
	[dreg:$0x1e] =	wrdreg s30  }
0xe: {  	vm10 =	vcmask $0x2724;
	vm11 =	vcmask $0x2B28;
	vm0 =	vmneg @p0 vm0;
	s1 =	sadd.s32 $0x1C00, s1;
	s2 =	sadd.s32 s2, s3;
	[dreg:$0x1f] =	wrdreg s31  }
0xf: {  	vm12 =	vcmask $0x2F2C;
	vm13 =	vcmask $0x3330;
	v0 =	vsel vm0, $0xFFFFFFFF, v0;
	[smem:$0x7FC] =	sst s1;
	s3 =	simm.s32 $0x400;
	s2 =	sadd.s32 $0x400, s2  }
0x10: {  	vm14 =	vcmask $0x3734;
	vm15 =	vcmask $0x3B38;
	[tilespmem:$0x1FFF0] =	vst v0;
	v0 =	vimm.s32 $0x0;
	s1 =	simm.s32 $0x0;
	[dreg:$0x1d] =	wrdreg s2;
	s2 =	simm.s32 $0x80  }
.LBB2_1:
0x11: {  	[smem:$0x7FB] =	sst s1  }
0x12: {  	s29 =	simm.s32 $0x0;
	s0 =	rddreg [dreg:$0x1d]  }
0x13: {  	[tilespmem:s29], [sflag:$0x1] =	stream.strided.gather [hbm4b:s0+s2], $0x400, s3, s2, $0x38;
	[tilespmem:$0xE00] =	vst v63  }
0x14: {  	_ =	swait.ge [sflag:s6], $0x400  }
0x15: {  	[sflag:s6] =	ssyncset.done $0x0  }
0x16: {  	s30 =	rddreg [dreg:$0x1e];
	[sflag:s6] =	ssyncadd.s32 $0xFFFFFC00  }
0x17: {  	[tilespmem:s3], [sflag:$0x1] =	stream.strided.gather [hbm4b:s30+s2], $0x200, s3, s2, $0x38;
	[tilespmem:$0xE00] =	vst v63  }
0x18: {  	_ =	swait.ge [sflag:s6], $0x200  }
0x19: {  	[sflag:s6] =	ssyncset.done $0x0  }
0x1a: {  	s4 =	simm.s32 $0x600;
	s31 =	rddreg [dreg:$0x1f];
	[sflag:s6] =	ssyncadd.s32 $0xFFFFFE00  }
0x1b: {  	[tilespmem:s4], [sflag:$0x1] =	stream.strided.gather [hbm4b:s31+s2], $0x200, s3, s2, $0x38;
	[tilespmem:$0xE00] =	vst v63  }
0x1c: {  	_ =	swait.ge [sflag:s6], $0x200  }
0x1d: {  	[sflag:s6] =	ssyncset.done $0x0  }
0x1e: {  	[sflag:s6] =	ssyncadd.s32 $0xFFFFFE00  }
0x1f: {  	v3 =	vld [tilespmem:s29+$0x0];
	_ =	sdelay $0x4  }
0x20: {  	vm0 =	vgt.f32 v3, $5.000000000e-01  }
0x21: {  	v3 =	vsel vm0, $0x1, v0  }
0x22: {  	(xrf0) =	vadd.scan.msk.s32 $0xffff, v3;
	_ =	sdelay $0x5  }
0x23: {  	v4, _, _ =	vpop (xrf0)  }
0x24: {  	v5 =	vsub.s32 v4, v3  }
0x25: {  	(v2sf) =	vpush v4, $0xF;
	v4 =	vadd.s32 s29, v5;
	v5 =	vld [tilespmem:$0x1FFF0];
	_ =	sdelay $0x4  }
0x26: {  	s1 =	simm.s32 $0x0;
	vm1 =	vnez.u8 v5  }
0x27: {  	s0 =	simm.s32 $0x10;
	s3 =	simm.s32 $0x20;
	s2 =	simm.s32 $0x0;
	v3 =	vor.u32 s29, v1;
	vm0 =	vmxor vm1, vm0  }
.LBB2_2:
0x28: {  	p1 =	sne.s32 s3, $0x3F0;
	v5 =	vsub.s32 v3, v4;
	vm0 =	vmneg vm0  }
0x29: {  	v4 =	vpsel p0, v4, v5;
	_ =	sdelay $0x4  }
0x2a: {  	s2 =	sadd.s32 $0x10, s2;
	[tilespmem:v4+s28+$0x0] =	vst.idx.msk vm0, v3  }
0x2b: {  	v3 =	vld [tilespmem:s2+$0x0];
	_ =	sdelay $0x4  }
0x2c: {  	vm0 =	vgt.f32 v3, $5.000000000e-01  }
0x2d: {  	v3 =	vsel vm0, $0x1, v0;
	s4 =	spop (v2sf)  }
0x2e: {  	(xrf0) =	vadd.scan.msk.s32 $0xffff, v3;
	s1 =	sadd.s32 s1, s4;
	_ =	sdelay $0x3  }
.Ltmp0:
0x2f: {  	(pc) =	sbr.rel @p1 .LBB2_2-.Ltmp0, $4  }
0x30: {  	_ = 	snop  }
0x31: {  	v4, _, _ =	vpop (xrf0)  }
0x32: {  	v5 =	vsub.s32 v4, v3;
	(v2sf) =	vpush v4, $0xF  }
0x33: {  	vm0 =	vmxor vm1, vm0;
	v3 =	vor.u32 s0, v1;
	s0 =	smov.u32 s3;
	s3 =	sadd.s32 $0x10, s3;
	v4 =	vadd.s32 s1, v5  }
0x34: {  	v5 =	vsub.s32 v3, v4;
	vm0 =	vmneg vm0  }
0x35: {  	v4 =	vpsel p0, v4, v5;
	_ =	sdelay $0x3  }
0x36: {  	s28 =	simm.s32 $0x800  }
0x37: {  	s2 =	sadd.s32 $0x10, s2;
	[tilespmem:v4+s28+$0x0] =	vst.idx.msk vm0, v3  }
0x38: {  	v3 =	vld [tilespmem:s2+$0x0];
	_ =	sdelay $0x4  }
0x39: {  	vm0 =	vgt.f32 v3, $5.000000000e-01  }
0x3a: {  	v4 =	vsel vm0, $0x1, v0  }
0x3b: {  	(xrf0) =	vadd.scan.msk.s32 $0xffff, v4;
	_ =	sdelay $0x5  }
0x3c: {  	v5, _, _ =	vpop (xrf0)  }
0x3d: {  	(v2sf) =	vpush v5, $0xF;
	_ =	sdelay $0xd  }
0x3e: {  	s20 =	spop (v2sf)  }
0x3f: {  	s1 =	sadd.s32 s1, s20;
	s21 =	spop (v2sf)  }
0x40: {  	s2 =	sadd.s32 s1, s21  }
0x41: {  	v3 =	vimm.s32 $0x0;
	s30 =	ssub.s32 $0x400, s2  }
0x42: {  	v3 =	vsel vm0, $0xFFFFFFFF, v3;
	s30 =	smov.u32 @p0 s2  }
0x43: {  	[tilespmem:$0x1FFE0] =	vst v3;
	v3 =	vmov s30  }
0x44: {  	vm0 =	vgt.s32 v3, $0x1  }
0x45: {  	v3 =	vnsel vm0, $0x1, v3  }
0x46: {  	v3 =	vbroadcast v3, $0x0;
	_ =	sdelay $0x1  }
0x47: {  	(v2sf) =	vpush v3, $0x0  }
0x48: {  	(v2sf) =	vpush v2, $0x0  }
0x49: {  	(v2sf) =	vpush v3, $0xF  }
0x4a: {  	(v2sf) =	vpush v2, $0xF  }
0x4b: {  	(v2sf) =	vpush v3, $0x1  }
0x4c: {  	(v2sf) =	vpush v2, $0x1  }
0x4d: {  	(v2sf) =	vpush v3, $0x2  }
0x4e: {  	(v2sf) =	vpush v2, $0x2;
	_ =	sdelay $0x1  }
0x4f: {  	(v2sf) =	vpush v3, $0x3  }
0x50: {  	(v2sf) =	vpush v2, $0x3;
	_ =	sdelay $0x1  }
0x51: {  	(v2sf) =	vpush v3, $0x4  }
0x52: {  	(v2sf) =	vpush v2, $0x4;
	_ =	sdelay $0x1  }
0x53: {  	s6 =	spop (v2sf)  }
0x54: {  	s5 =	spop (v2sf)  }
0x55: {  	s4 =	spop (v2sf)  }
0x56: {  	(v2sf) =	vpush v3, $0x5;
	s7 =	spop (v2sf)  }
0x57: {  	(v2sf) =	vpush v2, $0x5;
	s3 =	spop (v2sf)  }
0x58: {  	(drf) =	srem.u32 s5, s6;
	s8 =	spop (v2sf)  }
0x59: {  	(drf) =	srem.u32 s7, s4;
	(v2sf) =	vpush v3, $0x6;
	s2 =	spop (v2sf)  }
0x5a: {  	(v2sf) =	vpush v2, $0x6;
	(drf) =	srem.u32 s8, s3;
	s9 =	spop (v2sf)  }
0x5b: {  	(drf) =	srem.u32 s9, s2  }
0x5c: {  	(v2sf) =	vpush v3, $0x7;
	s5 =	spop (v2sf)  }
0x5d: {  	(v2sf) =	vpush v2, $0x7;
	s22 =	spop (v2sf)  }
0x5e: {  	(v2sf) =	vpush v3, $0x8;
	(drf) =	srem.u32 s22, s5  }
0x5f: {  	(v2sf) =	vpush v2, $0x8;
	s7 =	spop (v2sf)  }
0x60: {  	(v2sf) =	vpush v3, $0x9;
	s23 =	spop (v2sf)  }
0x61: {  	s8 =	spop (drf);
	(v2sf) =	vpush v2, $0x9;
	(drf) =	srem.u32 s23, s7  }
0x62: {  	(v2sf) =	vpush v3, $0xA;
	s9 =	spop (drf)  }
0x63: {  	(v2sf) =	vpush v2, $0xA;
	s11 =	spop (drf)  }
0x64: {  	(v2sf) =	vpush v3, $0xB;
	s18 =	spop (drf)  }
0x65: {  	(v2sf) =	vpush v2, $0xB;
	s10 =	spop (v2sf)  }
0x66: {  	(v2sf) =	vpush v3, $0xC;
	s13 =	spop (v2sf)  }
0x67: {  	(v2sf) =	vpush v2, $0xC;
	s21 =	spop (drf)  }
0x68: {  	(v2sf) =	vpush v3, $0xD;
	s12 =	spop (v2sf)  }
0x69: {  	(v2sf) =	vpush v2, $0xD;
	s14 =	spop (v2sf)  }
0x6a: {  	(v2sf) =	vpush v3, $0xE;
	s22 =	spop (drf)  }
0x6b: {  	s16 =	spop (v2sf);
	(v2sf) =	vpush v2, $0xE  }
0x6c: {  	s15 =	spop (v2sf)  }
0x6d: {  	s19 =	spop (v2sf)  }
0x6e: {  	s23 =	spop (v2sf)  }
0x6f: {  	s20 =	spop (v2sf)  }
0x70: {  	s24 =	spop (v2sf)  }
0x71: {  	s17 =	spop (v2sf)  }
0x72: {  	(drf) =	srem.u32 s13, s10;
	s25 =	spop (v2sf)  }
0x73: {  	(drf) =	srem.u32 s14, s12;
	s14 =	spop (v2sf)  }
0x74: {  	(drf) =	srem.u32 s15, s16;
	s26 =	spop (v2sf)  }
0x75: {  	(drf) =	srem.u32 s23, s19;
	s13 =	spop (v2sf)  }
0x76: {  	vm0 =	vcmask $0x300;
	v6 =	vmov s9;
	(drf) =	srem.u32 s24, s20;
	s24 =	spop (v2sf)  }
0x77: {  	v6 =	vsel vm0, s8, v6;
	(drf) =	srem.u32 s25, s17;
	s15 =	spop (v2sf)  }
0x78: {  	v6 =	vsel vm2, s11, v6;
	(drf) =	srem.u32 s26, s14;
	s23 =	spop (v2sf)  }
0x79: {  	v6 =	vsel vm3, s18, v6;
	(drf) =	srem.u32 s24, s13;
	s18 =	spop (v2sf)  }
0x7a: {  	v6 =	vsel vm4, s21, v6;
	(drf) =	srem.u32 s23, s15;
	s24 =	spop (v2sf)  }
0x7b: {  	v6 =	vsel vm5, s22, v6;
	s25 =	spop (drf);
	(drf) =	srem.u32 s24, s18  }
0x7c: {  	v6 =	vsel vm6, s25, v6;
	s26 =	spop (drf)  }
0x7d: {  	v6 =	vsel vm7, s26, v6;
	s9 =	spop (drf)  }
0x7e: {  	v6 =	vsel vm8, s9, v6;
	s11 =	spop (drf)  }
0x7f: {  	v6 =	vsel vm9, s11, v6;
	s21 =	spop (drf)  }
0x80: {  	v6 =	vsel vm10, s21, v6;
	s22 =	spop (drf)  }
0x81: {  	v6 =	vsel vm11, s22, v6;
	s23 =	spop (drf)  }
0x82: {  	v6 =	vsel vm12, s23, v6;
	s24 =	spop (drf)  }
0x83: {  	v6 =	vsel vm13, s24, v6;
	s25 =	spop (drf)  }
0x84: {  	v6 =	vsel vm14, s25, v6;
	s26 =	spop (drf)  }
0x85: {  	v6 =	vsel vm15, s26, v6  }
0x86: {  	v6 =	vmul.u32 v6, v6;
	_ =	sdelay $0x1  }
0x87: {  	(v2sf) =	vpush v6, $0x0  }
0x88: {  	(v2sf) =	vpush v6, $0xF  }
0x89: {  	(v2sf) =	vpush v6, $0x1  }
0x8a: {  	(v2sf) =	vpush v6, $0x2  }
0x8b: {  	(v2sf) =	vpush v6, $0x3  }
0x8c: {  	(v2sf) =	vpush v6, $0x4  }
0x8d: {  	(v2sf) =	vpush v6, $0x5  }
0x8e: {  	(v2sf) =	vpush v6, $0x6  }
0x8f: {  	(v2sf) =	vpush v6, $0x7  }
0x90: {  	(v2sf) =	vpush v6, $0x8;
	_ =	sdelay $0x1  }
0x91: {  	(v2sf) =	vpush v6, $0x9;
	_ =	sdelay $0x1  }
0x92: {  	(v2sf) =	vpush v6, $0xA;
	_ =	sdelay $0x1  }
0x93: {  	(v2sf) =	vpush v6, $0xB;
	s9 =	spop (v2sf)  }
0x94: {  	(drf) =	srem.u32 s9, s6;
	s11 =	spop (v2sf)  }
0x95: {  	(v2sf) =	vpush v6, $0xC;
	s21 =	spop (v2sf)  }
0x96: {  	(drf) =	srem.u32 s11, s4;
	s22 =	spop (v2sf)  }
0x97: {  	(v2sf) =	vpush v6, $0xD;
	s23 =	spop (v2sf)  }
0x98: {  	(drf) =	srem.u32 s21, s3;
	s24 =	spop (v2sf)  }
0x99: {  	(v2sf) =	vpush v6, $0xE;
	s25 =	spop (v2sf)  }
0x9a: {  	(drf) =	srem.u32 s22, s2;
	s26 =	spop (v2sf)  }
0x9b: {  	(v2sf) =	vpush v3, $0xE;
	s4 =	spop (v2sf)  }
0x9c: {  	(drf) =	srem.u32 s23, s5;
	s5 =	spop (v2sf)  }
0x9d: {  	s2 =	spop (drf)  }
0x9e: {  	(drf) =	srem.u32 s24, s7;
	s6 =	spop (v2sf)  }
0x9f: {  	s7 =	spop (drf)  }
0xa0: {  	(drf) =	srem.u32 s25, s10;
	s10 =	spop (v2sf)  }
0xa1: {  	v6 =	vld [tilespmem:$0x1FFE0];
	(drf) =	srem.u32 s26, s12;
	s9 =	spop (drf)  }
0xa2: {  	(drf) =	srem.u32 s4, s16;
	s11 =	spop (v2sf)  }
0xa3: {  	(drf) =	srem.u32 s5, s19;
	s8 =	spop (drf)  }
0xa4: {  	(drf) =	srem.u32 s6, s20;
	s12 =	spop (v2sf)  }
0xa5: {  	v4 =	vsub.s32 v5, v4;
	(v2sf) =	vpush v3, $0xD;
	(drf) =	srem.u32 s10, s17;
	s22 =	spop (drf)  }
0xa6: {  	v5 =	vor.u32 s0, v1;
	vm0 =	vnez.u8 v6;
	(v2sf) =	vpush v3, $0xC;
	(drf) =	srem.u32 s11, s14;
	s14 =	spop (v2sf)  }
0xa7: {  	v4 =	vadd.s32 s1, v4;
	vm0 =	vmxor vm1, vm0;
	(v2sf) =	vpush v3, $0xB;
	s21 =	spop (drf)  }
0xa8: {  	v6 =	vsub.s32 v5, v4;
	vm0 =	vmneg vm0;
	(v2sf) =	vpush v3, $0xA;
	(drf) =	srem.u32 s12, s13;
	s16 =	spop (v2sf)  }
0xa9: {  	v4 =	vpsel p0, v4, v6;
	(v2sf) =	vpush v3, $0x9;
	(drf) =	srem.u32 s14, s15;
	s3 =	spop (drf)  }
0xaa: {  	(v2sf) =	vpush v3, $0x8;
	(drf) =	srem.u32 s16, s18;
	s26 =	spop (v2sf)  }
0xab: {  	(v2sf) =	vpush v3, $0x7;
	s6 =	spop (drf)  }
0xac: {  	(v2sf) =	vpush v3, $0x6;
	s10 =	spop (drf)  }
0xad: {  	(v2sf) =	vpush v3, $0x5;
	s11 =	spop (drf)  }
0xae: {  	s25 =	simm.s32 $0x0;
	[tilespmem:v4+s28+$0x0] =	vst.idx.msk vm0, v5;
	(v2sf) =	vpush v3, $0x4;
	s20 =	spop (drf)  }
0xaf: {  	v4 =	vld [tilespmem:s25+$0x600];
	(v2sf) =	vpush v3, $0x3;
	s28 =	spop (drf)  }
0xb0: {  	(v2sf) =	vpush v3, $0x2;
	s17 =	spop (drf)  }
0xb1: {  	v5 =	vld [tilespmem:s25+$0x400];
	(v2sf) =	vpush v3, $0x1;
	s15 =	spop (drf)  }
0xb2: {  	(v2sf) =	vpush v3, $0x0;
	s24 =	spop (drf)  }
0xb3: {  	(v2sf) =	vpush v3, $0xF;
	s23 =	spop (drf)  }
0xb4: {  	s29 =	spop (v2sf);
	(v2sf) =	vpush v4, $0xE  }
0xb5: {  	s4 =	spop (v2sf);
	(v2sf) =	vpush v4, $0xD  }
0xb6: {  	s1 =	spop (v2sf);
	(v2sf) =	vpush v5, $0xE  }
0xb7: {  	s13 =	spop (v2sf);
	(v2sf) =	vpush v4, $0xC  }
0xb8: {  	s5 =	spop (v2sf);
	(v2sf) =	vpush v5, $0xD  }
0xb9: {  	s31 =	spop (v2sf);
	(v2sf) =	vpush v4, $0xB  }
0xba: {  	s18 =	spop (v2sf);
	(v2sf) =	vpush v5, $0xC  }
0xbb: {  	(v2sf) =	vpush v4, $0xA;
	s19 =	spop (v2sf)  }
0xbc: {  	(v2sf) =	vpush v5, $0xB;
	s12 =	spop (v2sf)  }
0xbd: {  	(v2sf) =	vpush v4, $0x9;
	s14 =	spop (v2sf)  }
0xbe: {  	(v2sf) =	vpush v5, $0xA;
	s16 =	spop (v2sf)  }
0xbf: {  	[smem:$0x7FA] =	sst s17;
	(v2sf) =	vpush v4, $0x8;
	s17 =	spop (v2sf)  }
0xc0: {  	[dreg:$0x2] =	wrdreg s18;
	(v2sf) =	vpush v5, $0x9;
	s18 =	spop (v2sf)  }
0xc1: {  	[dreg:$0x3] =	wrdreg s19;
	(v2sf) =	vpush v4, $0x7;
	s19 =	spop (v2sf)  }
0xc2: {  	[dreg:$0x4] =	wrdreg s12;
	(v2sf) =	vpush v5, $0x8;
	s12 =	spop (v2sf)  }
0xc3: {  	[dreg:$0x5] =	wrdreg s14;
	(v2sf) =	vpush v4, $0x6;
	s14 =	spop (v2sf)  }
0xc4: {  	[dreg:$0x6] =	wrdreg s16;
	(v2sf) =	vpush v5, $0x7;
	s16 =	spop (v2sf)  }
0xc5: {  	[dreg:$0xb] =	wrdreg s14;
	(v2sf) =	vpush v4, $0x5;
	s14 =	spop (v2sf)  }
0xc6: {  	[dreg:$0x7] =	wrdreg s17;
	(v2sf) =	vpush v5, $0x6;
	s17 =	spop (v2sf)  }
0xc7: {  	v6 =	vmov s7;
	vm0 =	vcmask $0x300;
	[dreg:$0xa] =	wrdreg s12;
	(v2sf) =	vpush v4, $0x4;
	s12 =	spop (v2sf)  }
0xc8: {  	v6 =	vsel vm0, s2, v6;
	[dreg:$0x8] =	wrdreg s18;
	(v2sf) =	vpush v5, $0x5;
	s18 =	spop (v2sf)  }
0xc9: {  	v6 =	vsel vm2, s9, v6;
	(v2sf) =	vpush v4, $0x3;
	s0 =	spop (v2sf)  }
0xca: {  	v6 =	vsel vm3, s8, v6;
	[dreg:$0x9] =	wrdreg s19;
	s19 =	spop (v2sf)  }
0xcb: {  	v6 =	vsel vm4, s22, v6;
	[dreg:$0xd] =	wrdreg s16;
	s16 =	spop (v2sf)  }
0xcc: {  	v6 =	vsel vm5, s21, v6;
	s8 =	spop (v2sf)  }
0xcd: {  	v6 =	vsel vm6, s3, v6;
	[dreg:$0xe] =	wrdreg s17;
	s17 =	spop (v2sf)  }
0xce: {  	v6 =	vsel vm7, s6, v6;
	s9 =	spop (v2sf)  }
0xcf: {  	v6 =	vsel vm8, s10, v6;
	[dreg:$0xf] =	wrdreg s18;
	(v2sf) =	vpush v5, $0x4;
	s18 =	spop (v2sf)  }
0xd0: {  	v6 =	vsel vm9, s11, v6;
	(v2sf) =	vpush v4, $0x2;
	s2 =	spop (v2sf)  }
0xd1: {  	v6 =	vsel vm10, s20, v6;
	[dreg:$0x10] =	wrdreg s19;
	(v2sf) =	vpush v5, $0x3;
	s19 =	spop (v2sf)  }
0xd2: {  	v6 =	vsel vm11, s28, v6;
	s28 =	sld [smem:$0x7FA];
	(v2sf) =	vpush v4, $0x1;
	s6 =	spop (v2sf)  }
0xd3: {  	(v2sf) =	vpush v5, $0x2;
	s20 =	spop (v2sf)  }
0xd4: {  	(v2sf) =	vpush v4, $0x0;
	s10 =	spop (v2sf)  }
0xd5: {  	v6 =	vsel vm12, s28, v6;
	(v2sf) =	vpush v5, $0x1;
	s21 =	spop (v2sf)  }
0xd6: {  	v6 =	vsel vm13, s15, v6;
	(v2sf) =	vpush v4, $0xF;
	s3 =	spop (v2sf)  }
0xd7: {  	v4 =	vsel vm14, s24, v6;
	(v2sf) =	vpush v5, $0x0;
	s22 =	spop (v2sf)  }
0xd8: {  	p1 =	seq.s32 s30, $0x0;
	s7 =	simm.s32 $0x40;
	v4 =	vsel vm15, s23, v4;
	(v2sf) =	vpush v5, $0xF;
	s15 =	spop (v2sf)  }
.LBB2_4:
0xd9: {  	[dreg:$0x12] =	wrdreg s26  }
0xda: {  	[dreg:$0x11] =	wrdreg s7  }
0xdb: {  	[dreg:$0xc] =	wrdreg s25  }
0xdc: {  	[dreg:$0x17] =	wrdreg s5  }
0xdd: {  	p2 =	sne.s32 s7, $0x7C0;
	(drf) =	srem.u32 s14, s26;
	s7 =	rddreg [dreg:$0x3]  }
0xde: {  	s11 =	rddreg [dreg:$0x4];
	(drf) =	srem.u32 s12, s29;
	s12 =	smov.u32 s4  }
0xdf: {  	[dreg:$0x15] =	wrdreg s12  }
0xe0: {  	(drf) =	srem.u32 s0, s4;
	s4 =	rddreg [dreg:$0x2]  }
0xe1: {  	s0 =	smov.u32 s9;
	s9 =	rddreg [dreg:$0x7]  }
0xe2: {  	[dreg:$0x2] =	wrdreg s4  }
0xe3: {  	(drf) =	srem.u32 s16, s1;
	s16 =	rddreg [dreg:$0x5]  }
0xe4: {  	[dreg:$0x7] =	wrdreg s9  }
0xe5: {  	(drf) =	srem.u32 s17, s13;
	s23 =	spop (v2sf)  }
0xe6: {  	[dreg:$0x5] =	wrdreg s16;
	s24 =	spop (v2sf)  }
0xe7: {  	(drf) =	srem.u32 s18, s5;
	s25 =	spop (v2sf)  }
0xe8: {  	(drf) =	srem.u32 s19, s31;
	s26 =	spop (v2sf)  }
0xe9: {  	(drf) =	srem.u32 s20, s4;
	s28 =	spop (v2sf)  }
0xea: {  	(drf) =	srem.u32 s21, s7;
	s20 =	spop (drf)  }
0xeb: {  	s14 =	smov.u32 s29;
	(drf) =	srem.u32 s22, s11;
	s29 =	spop (v2sf)  }
0xec: {  	[dreg:$0x19] =	wrdreg s20;
	(drf) =	srem.u32 s23, s16  }
0xed: {  	s21 =	spop (drf);
	s20 =	rddreg [dreg:$0x6]  }
0xee: {  	s17 =	spop (v2sf);
	[dreg:$0x1a] =	wrdreg s21  }
0xef: {  	(drf) =	srem.u32 s25, s20;
	[dreg:$0x6] =	wrdreg s20  }
0xf0: {  	s22 =	spop (drf);
	s25 =	rddreg [dreg:$0x8]  }
0xf1: {  	s30 =	spop (v2sf);
	[dreg:$0x1b] =	wrdreg s22  }
0xf2: {  	(drf) =	srem.u32 s28, s9;
	s22 =	rddreg [dreg:$0xa]  }
0xf3: {  	s23 =	spop (drf);
	s28 =	rddreg [dreg:$0x9]  }
0xf4: {  	s19 =	spop (v2sf);
	[dreg:$0x1c] =	wrdreg s23  }
0xf5: {  	(drf) =	srem.u32 s17, s25;
	s23 =	smov.u32 s25;
	s25 =	spop (drf)  }
0xf6: {  	[dreg:$0xa] =	wrdreg s22;
	s18 =	spop (v2sf)  }
0xf7: {  	(drf) =	srem.u32 s18, s22;
	s18 =	spop (drf)  }
0xf8: {  	(drf) =	srem.u32 s19, s28;
	s19 =	spop (drf)  }
0xf9: {  	s17 =	spop (drf);
	(drf) =	srem.u32 s30, s22  }
0xfa: {  	[dreg:$0x8] =	wrdreg s23;
	s21 =	spop (drf)  }
0xfb: {  	(drf) =	srem.u32 s29, s28;
	s22 =	spop (drf)  }
0xfc: {  	(drf) =	srem.u32 s26, s23;
	s23 =	spop (drf)  }
0xfd: {  	(drf) =	srem.u32 s24, s9;
	s24 =	spop (drf)  }
0xfe: {  	(drf) =	srem.u32 s15, s20;
	s20 =	spop (drf)  }
0xff: {  	(drf) =	srem.u32 s3, s16;
	s26 =	spop (drf)  }
0x100: {  	(drf) =	srem.u32 s10, s11;
	s30 =	spop (drf)  }
0x101: {  	(drf) =	srem.u32 s6, s7;
	s9 =	spop (drf)  }
0x102: {  	v5 =	vmov s30;
	(drf) =	srem.u32 s2, s4;
	s10 =	spop (drf)  }
0x103: {  	v5 =	vsel vm0, s9, v5;
	(drf) =	srem.u32 s0, s31;
	s0 =	rddreg [dreg:$0xf]  }
0x104: {  	v5 =	vsel vm2, s26, v5;
	s16 =	spop (drf);
	s26 =	rddreg [dreg:$0x10]  }
0x105: {  	(drf) =	srem.u32 s8, s5;
	s5 =	rddreg [dreg:$0xe]  }
0x106: {  	s8 =	rddreg [dreg:$0xd]  }
0x107: {  	(v2sf) =	vpush v3, $0xE;
	v6 =	vmov s10;
	s10 =	rddreg [dreg:$0xb];
	v5 =	vsel vm3, s20, v5;
	s20 =	spop (drf)  }
0x108: {  	(v2sf) =	vpush v3, $0xD;
	v6 =	vsel vm0, s16, v6;
	(drf) =	srem.u32 s26, s13;
	s30 =	spop (drf)  }
0x109: {  	(v2sf) =	vpush v3, $0xC;
	v5 =	vsel vm4, s24, v5;
	v6 =	vsel vm2, s20, v6;
	(drf) =	srem.u32 s0, s1;
	s4 =	spop (drf)  }
0x10a: {  	(v2sf) =	vpush v3, $0xB;
	v5 =	vsel vm5, s23, v5;
	v6 =	vsel vm3, s30, v6;
	(drf) =	srem.u32 s5, s12;
	s12 =	rddreg [dreg:$0x12]  }
0x10b: {  	(v2sf) =	vpush v3, $0xA;
	v5 =	vsel vm6, s22, v5;
	v6 =	vsel vm4, s4, v6;
	s6 =	spop (drf);
	(drf) =	srem.u32 s8, s14  }
0x10c: {  	(v2sf) =	vpush v3, $0x9;
	v5 =	vsel vm7, s21, v5;
	v6 =	vsel vm5, s6, v6;
	s9 =	spop (drf);
	(drf) =	srem.u32 s10, s12  }
0x10d: {  	[dreg:$0x16] =	wrdreg s13;
	(v2sf) =	vpush v3, $0x8;
	v5 =	vsel vm8, s17, v5;
	v6 =	vsel vm6, s9, v6;
	s13 =	spop (drf)  }
0x10e: {  	[dreg:$0x13] =	wrdreg s14;
	(v2sf) =	vpush v3, $0x7;
	v5 =	vsel vm9, s19, v5;
	v6 =	vsel vm7, s13, v6;
	s14 =	spop (drf)  }
0x10f: {  	(v2sf) =	vpush v3, $0x6;
	s17 =	rddreg [dreg:$0x11];
	v5 =	vsel vm10, s18, v5;
	v6 =	vsel vm8, s14, v6;
	s15 =	spop (drf)  }
0x110: {  	(v2sf) =	vpush v3, $0x5;
	s18 =	rddreg [dreg:$0x1c];
	v5 =	vsel vm11, s25, v5;
	v6 =	vsel vm9, s15, v6;
	s16 =	spop (drf)  }
0x111: {  	(v2sf) =	vpush v3, $0x4;
	s20 =	rddreg [dreg:$0x1b];
	s6 =	sshra.s32 s17, $0x2;
	v7 =	vsel vm12, s18, v5;
	v6 =	vsel vm10, s16, v6;
	s19 =	spop (drf)  }
0x112: {  	(v2sf) =	vpush v3, $0x3;
	s22 =	rddreg [dreg:$0x1a];
	v5 =	vld [tilespmem:s6+$0x600];
	v7 =	vsel vm13, s20, v7;
	v6 =	vsel vm11, s19, v6;
	s21 =	spop (drf)  }
0x113: {  	(v2sf) =	vpush v3, $0x2;
	s24 =	rddreg [dreg:$0x19];
	v7 =	vsel vm14, s22, v7;
	v6 =	vsel vm12, s21, v6;
	s23 =	spop (drf)  }
0x114: {  	(v2sf) =	vpush v3, $0x1;
	v7 =	vsel vm15, s24, v7;
	v6 =	vsel vm13, s23, v6;
	s25 =	spop (drf)  }
0x115: {  	(v2sf) =	vpush v3, $0x0;
	v7 =	vmul.u32 v4, v7;
	v6 =	vsel vm14, s25, v6;
	s26 =	spop (drf)  }
0x116: {  	(v2sf) =	vpush v3, $0xF;
	s30 =	spop (v2sf);
	v6 =	vsel vm15, s26, v6  }
0x117: {  	s2 =	spop (v2sf);
	(v2sf) =	vpush v5, $0xE;
	v6 =	vadd.s32 v6, v7  }
0x118: {  	s3 =	spop (v2sf);
	(v2sf) =	vpush v6, $0xE  }
0x119: {  	s29 =	spop (v2sf);
	(v2sf) =	vpush v6, $0xD  }
0x11a: {  	s0 =	spop (v2sf);
	(v2sf) =	vpush v6, $0xC  }
0x11b: {  	[dreg:$0x18] =	wrdreg s30;
	s30 =	spop (v2sf);
	(v2sf) =	vpush v6, $0xB  }
0x11c: {  	s9 =	spop (v2sf);
	(v2sf) =	vpush v6, $0xA  }
0x11d: {  	s10 =	spop (v2sf);
	(v2sf) =	vpush v6, $0x9  }
0x11e: {  	s13 =	spop (v2sf);
	(v2sf) =	vpush v6, $0xF  }
0x11f: {  	s15 =	spop (v2sf);
	(v2sf) =	vpush v6, $0x0  }
0x120: {  	s17 =	spop (v2sf)  }
0x121: {  	s18 =	spop (v2sf);
	(v2sf) =	vpush v6, $0x1  }
0x122: {  	s19 =	spop (v2sf)  }
0x123: {  	s20 =	spop (v2sf)  }
0x124: {  	s21 =	spop (v2sf)  }
0x125: {  	s22 =	spop (v2sf);
	(v2sf) =	vpush v6, $0x2  }
0x126: {  	[dreg:$0x14] =	wrdreg s1;
	(v2sf) =	vpush v6, $0x3;
	s1 =	spop (v2sf)  }
0x127: {  	s8 =	spop (v2sf)  }
0x128: {  	(v2sf) =	vpush v6, $0x4;
	s12 =	spop (v2sf)  }
0x129: {  	s14 =	spop (v2sf)  }
0x12a: {  	s5 =	rddreg [dreg:$0xa];
	s25 =	smov.u32 s21;
	(v2sf) =	vpush v6, $0x5;
	s16 =	spop (v2sf)  }
0x12b: {  	[dreg:$0x9] =	wrdreg s25;
	s23 =	spop (v2sf)  }
0x12c: {  	s25 =	smov.u32 s19;
	s19 =	rddreg [dreg:$0x17];
	(v2sf) =	vpush v6, $0x6;
	s24 =	spop (v2sf)  }
0x12d: {  	[dreg:$0xb] =	wrdreg s1;
	s4 =	spop (v2sf)  }
0x12e: {  	(v2sf) =	vpush v6, $0x7;
	s1 =	smov.u32 s22;
	s26 =	spop (v2sf);
	(drf) =	srem.u32 s4, s5  }
0x12f: {  	(v2sf) =	vpush v6, $0x8;
	[dreg:$0xa] =	wrdreg s1;
	(drf) =	srem.u32 s26, s28  }
0x130: {  	s5 =	spop (v2sf);
	s26 =	rddreg [dreg:$0x8]  }
0x131: {  	(drf) =	srem.u32 s5, s26;
	s5 =	smov.u32 s20;
	s20 =	rddreg [dreg:$0x7]  }
0x132: {  	[dreg:$0x7] =	wrdreg s25  }
0x133: {  	s26 =	rddreg [dreg:$0x6]  }
0x134: {  	s4 =	spop (v2sf);
	[dreg:$0x8] =	wrdreg s5  }
0x135: {  	(drf) =	srem.u32 s4, s20;
	s22 =	spop (v2sf)  }
0x136: {  	s5 =	smov.u32 s18;
	s20 =	rddreg [dreg:$0x5];
	(drf) =	srem.u32 s22, s26  }
0x137: {  	s4 =	spop (v2sf);
	[dreg:$0x6] =	wrdreg s5;
	s22 =	smov.u32 s17  }
0x138: {  	s5 =	smov.u32 s30;
	s30 =	rddreg [dreg:$0x13];
	(drf) =	srem.u32 s4, s20  }
0x139: {  	s26 =	smov.u32 s15;
	s21 =	spop (v2sf);
	[dreg:$0x5] =	wrdreg s22  }
0x13a: {  	[dreg:$0x4] =	wrdreg s26;
	s4 =	smov.u32 s13;
	(drf) =	srem.u32 s21, s11  }
0x13b: {  	s25 =	spop (v2sf);
	[dreg:$0x3] =	wrdreg s4  }
0x13c: {  	s21 =	rddreg [dreg:$0x16];
	(drf) =	srem.u32 s25, s7  }
0x13d: {  	v6 =	vld [tilespmem:s6+$0x400];
	s1 =	spop (v2sf);
	s7 =	rddreg [dreg:$0x2]  }
0x13e: {  	s25 =	rddreg [dreg:$0x15];
	s11 =	spop (v2sf)  }
0x13f: {  	(drf) =	srem.u32 s1, s7;
	s17 =	spop (drf)  }
0x140: {  	(v2sf) =	vpush v5, $0xD;
	(drf) =	srem.u32 s11, s31;
	s18 =	spop (drf)  }
0x141: {  	(drf) =	srem.u32 s24, s19;
	s20 =	spop (drf)  }
0x142: {  	(v2sf) =	vpush v6, $0xE;
	(drf) =	srem.u32 s23, s21;
	s23 =	rddreg [dreg:$0x14]  }
0x143: {  	(v2sf) =	vpush v5, $0xC;
	s22 =	spop (drf);
	(drf) =	srem.u32 s16, s23  }
0x144: {  	(v2sf) =	vpush v6, $0xD;
	s24 =	spop (drf);
	(drf) =	srem.u32 s14, s25  }
0x145: {  	s4 =	smov.u32 s3;
	(v2sf) =	vpush v5, $0xB;
	s26 =	spop (drf);
	(drf) =	srem.u32 s12, s30  }
0x146: {  	s31 =	smov.u32 s9;
	s9 =	rddreg [dreg:$0x12];
	(v2sf) =	vpush v6, $0xC;
	s3 =	spop (drf)  }
0x147: {  	(v2sf) =	vpush v5, $0xA;
	(drf) =	srem.u32 s8, s9;
	s11 =	spop (drf)  }
0x148: {  	v7 =	vmov s17;
	(v2sf) =	vpush v6, $0xB;
	s12 =	spop (drf)  }
0x149: {  	s15 =	smov.u32 s10;
	v7 =	vsel vm0, s18, v7;
	(v2sf) =	vpush v5, $0x9;
	s14 =	spop (drf)  }
0x14a: {  	[dreg:$0x2] =	wrdreg s15;
	v7 =	vsel vm2, s20, v7;
	(v2sf) =	vpush v6, $0xA;
	s15 =	spop (drf)  }
0x14b: {  	v7 =	vsel vm3, s22, v7;
	(v2sf) =	vpush v5, $0x8;
	s16 =	spop (drf)  }
0x14c: {  	v7 =	vsel vm4, s24, v7;
	(v2sf) =	vpush v6, $0x9;
	s17 =	spop (drf)  }
0x14d: {  	v7 =	vsel vm5, s26, v7;
	(v2sf) =	vpush v5, $0x7;
	s18 =	spop (drf)  }
0x14e: {  	v7 =	vsel vm6, s3, v7;
	(v2sf) =	vpush v6, $0x8;
	s19 =	spop (drf)  }
0x14f: {  	v7 =	vsel vm7, s11, v7;
	(v2sf) =	vpush v5, $0x6;
	s21 =	spop (v2sf)  }
0x150: {  	v7 =	vsel vm8, s12, v7;
	(v2sf) =	vpush v6, $0x7;
	s20 =	spop (drf)  }
0x151: {  	v7 =	vsel vm9, s14, v7;
	s14 =	spop (v2sf);
	(v2sf) =	vpush v5, $0x5  }
0x152: {  	(v2sf) =	vpush v6, $0x6;
	s22 =	spop (v2sf)  }
0x153: {  	s12 =	spop (v2sf);
	(v2sf) =	vpush v5, $0x4  }
0x154: {  	v7 =	vsel vm10, s15, v7;
	(v2sf) =	vpush v6, $0x5;
	s23 =	spop (v2sf)  }
0x155: {  	s13 =	smov.u32 s0;
	v7 =	vsel vm11, s16, v7;
	s0 =	spop (v2sf);
	(v2sf) =	vpush v5, $0x3  }
0x156: {  	v7 =	vsel vm12, s17, v7;
	s25 =	spop (v2sf)  }
0x157: {  	v7 =	vsel vm13, s18, v7;
	s16 =	spop (v2sf)  }
0x158: {  	v7 =	vsel vm14, s19, v7;
	s8 =	spop (v2sf)  }
0x159: {  	v7 =	vsel vm15, s20, v7;
	s17 =	spop (v2sf)  }
0x15a: {  	s9 =	spop (v2sf)  }
0x15b: {  	(v2sf) =	vpush v6, $0x4;
	s18 =	spop (v2sf)  }
0x15c: {  	s1 =	smov.u32 s29;
	s29 =	smov.u32 s2;
	(v2sf) =	vpush v5, $0x2;
	s2 =	spop (v2sf)  }
0x15d: {  	s10 =	rddreg [dreg:$0x18];
	s24 =	simm.s32 $0x800;
	(v2sf) =	vpush v6, $0x3;
	s19 =	spop (v2sf)  }
0x15e: {  	v7 =	vld.idx.msk [tilespmem:v7+s24+$0x0], $0xffff;
	[dreg:$0x10] =	wrdreg s25;
	s25 =	smov.u32 s6;
	(v2sf) =	vpush v5, $0x1;
	s6 =	spop (v2sf)  }
0x15f: {  	s7 =	rddreg [dreg:$0x11];
	(v2sf) =	vpush v6, $0x2;
	s20 =	spop (v2sf)  }
.Ltmp1:
0x160: {  	s26 =	smov.u32 s10;
	(v2sf) =	vpush v5, $0x0;
	s10 =	spop (v2sf);
	(pc) =	sbr.rel @p2 .LBB2_4-.Ltmp1, $4  }
0x161: {  	[dreg:$0xd] =	wrdreg s21;
	(v2sf) =	vpush v6, $0x1;
	s21 =	spop (v2sf)  }
0x162: {  	s30 =	rddreg [dreg:$0xc];
	(v2sf) =	vpush v5, $0xF;
	s3 =	spop (v2sf)  }
0x163: {  	s28 =	simm.s32 $0x800;
	[dreg:$0xe] =	wrdreg s22;
	v7 =	vpsel p1, $0x0, v7;
	(v2sf) =	vpush v6, $0x0;
	s22 =	spop (v2sf)  }
0x164: {  	s7 =	sadd.s32 $0x40, s7;
	[dreg:$0xf] =	wrdreg s23;
	[tilespmem:s30+$0xC00] =	vst v7;
	(v2sf) =	vpush v6, $0xF;
	s15 =	spop (v2sf)  }
0x165: {  	(drf) =	srem.u32 s14, s26;
	[dreg:$0x15] =	wrdreg s4  }
0x166: {  	[dreg:$0x14] =	wrdreg s1;
	(drf) =	srem.u32 s12, s29  }
0x167: {  	s7 =	rddreg [dreg:$0x3];
	(drf) =	srem.u32 s0, s4  }
0x168: {  	(drf) =	srem.u32 s16, s1;
	s1 =	rddreg [dreg:$0x2]  }
0x169: {  	s4 =	smov.u32 s13;
	(drf) =	srem.u32 s17, s13;
	s13 =	rddreg [dreg:$0x4]  }
0x16a: {  	s11 =	spop (v2sf);
	(drf) =	srem.u32 s18, s5  }
0x16b: {  	s23 =	spop (v2sf);
	(drf) =	srem.u32 s19, s31  }
0x16c: {  	s12 =	spop (v2sf);
	(drf) =	srem.u32 s20, s1  }
0x16d: {  	s24 =	spop (v2sf);
	(drf) =	srem.u32 s21, s7  }
0x16e: {  	s21 =	rddreg [dreg:$0x5];
	s14 =	spop (v2sf)  }
0x16f: {  	(drf) =	srem.u32 s22, s13;
	s30 =	spop (drf)  }
0x170: {  	s16 =	spop (v2sf);
	[smem:$0x7F9] =	sst s30  }
0x171: {  	(drf) =	srem.u32 s11, s21;
	s11 =	spop (drf)  }
0x172: {  	s30 =	rddreg [dreg:$0x6];
	s17 =	spop (v2sf)  }
0x173: {  	[smem:$0x7F8] =	sst s11;
	(drf) =	srem.u32 s12, s30  }
0x174: {  	s12 =	spop (drf);
	s11 =	rddreg [dreg:$0xa]  }
0x175: {  	s18 =	spop (v2sf);
	[smem:$0x7F7] =	sst s12  }
0x176: {  	s12 =	rddreg [dreg:$0x7];
	s19 =	spop (v2sf)  }
0x177: {  	(drf) =	srem.u32 s14, s12;
	s14 =	spop (drf)  }
0x178: {  	s20 =	spop (v2sf);
	[smem:$0x7F6] =	sst s14  }
0x179: {  	s14 =	rddreg [dreg:$0x8];
	s22 =	spop (drf)  }
0x17a: {  	(drf) =	srem.u32 s17, s14;
	[smem:$0x7F5] =	sst s22  }
0x17b: {  	s17 =	rddreg [dreg:$0x9];
	(drf) =	srem.u32 s20, s11  }
0x17c: {  	s20 =	spop (drf);
	(drf) =	srem.u32 s19, s17  }
0x17d: {  	s19 =	spop (drf);
	(drf) =	srem.u32 s18, s11  }
0x17e: {  	s18 =	spop (drf);
	(drf) =	srem.u32 s16, s17  }
0x17f: {  	s16 =	spop (drf);
	(drf) =	srem.u32 s24, s14  }
0x180: {  	s0 =	spop (drf);
	(drf) =	srem.u32 s23, s12  }
0x181: {  	s22 =	spop (drf);
	(drf) =	srem.u32 s15, s30  }
0x182: {  	s15 =	spop (drf);
	(drf) =	srem.u32 s3, s21  }
0x183: {  	s3 =	spop (drf);
	(drf) =	srem.u32 s10, s13  }
0x184: {  	s23 =	spop (drf);
	(drf) =	srem.u32 s6, s7  }
0x185: {  	s24 =	spop (drf);
	(drf) =	srem.u32 s2, s1  }
0x186: {  	v3 =	vmov s24;
	s24 =	smov.u32 s1;
	s2 =	spop (drf);
	s1 =	rddreg [dreg:$0xf]  }
0x187: {  	(drf) =	srem.u32 s9, s31;
	s6 =	spop (drf)  }
0x188: {  	(drf) =	srem.u32 s8, s5;
	s8 =	rddreg [dreg:$0x10]  }
0x189: {  	v5 =	vmov s6;
	s7 =	spop (drf);
	s6 =	rddreg [dreg:$0xd]  }
0x18a: {  	s10 =	smov.u32 s4;
	v3 =	vsel vm0, s2, v3;
	(drf) =	srem.u32 s8, s4;
	s4 =	rddreg [dreg:$0xe]  }
0x18b: {  	v3 =	vsel vm2, s23, v3;
	v5 =	vsel vm0, s7, v5;
	s9 =	spop (drf);
	s8 =	rddreg [dreg:$0x15]  }
0x18c: {  	v3 =	vsel vm3, s3, v3;
	v5 =	vsel vm2, s9, v5;
	s9 =	rddreg [dreg:$0x14];
	s3 =	spop (drf)  }
0x18d: {  	v3 =	vsel vm4, s15, v3;
	s15 =	rddreg [dreg:$0xb];
	(drf) =	srem.u32 s1, s9  }
0x18e: {  	s23 =	smov.u32 s5;
	v3 =	vsel vm5, s22, v3;
	v5 =	vsel vm3, s3, v5;
	s5 =	spop (drf);
	(drf) =	srem.u32 s4, s8  }
0x18f: {  	v3 =	vsel vm6, s0, v3;
	v5 =	vsel vm4, s5, v5;
	s7 =	spop (drf);
	(drf) =	srem.u32 s6, s29  }
0x190: {  	v3 =	vsel vm7, s16, v3;
	v5 =	vsel vm5, s7, v5;
	s16 =	spop (drf);
	(drf) =	srem.u32 s15, s26  }
0x191: {  	s3 =	sld [smem:$0x7F5];
	v3 =	vsel vm8, s18, v3;
	v5 =	vsel vm6, s16, v5;
	s22 =	spop (drf)  }
0x192: {  	s5 =	sld [smem:$0x7F6];
	v3 =	vsel vm9, s19, v3;
	v5 =	vsel vm7, s22, v5;
	s0 =	spop (drf)  }
0x193: {  	s7 =	sld [smem:$0x7F7];
	v3 =	vsel vm10, s20, v3;
	v5 =	vsel vm8, s0, v5;
	s1 =	spop (drf)  }
0x194: {  	s16 =	sld [smem:$0x7F8];
	v3 =	vsel vm11, s3, v3;
	v5 =	vsel vm9, s1, v5;
	s4 =	spop (drf)  }
0x195: {  	s19 =	sld [smem:$0x7F9];
	v3 =	vsel vm12, s5, v3;
	v5 =	vsel vm10, s4, v5;
	s6 =	spop (drf)  }
0x196: {  	v3 =	vsel vm13, s7, v3;
	v5 =	vsel vm11, s6, v5;
	s15 =	spop (drf)  }
0x197: {  	v3 =	vsel vm14, s16, v3;
	v5 =	vsel vm12, s15, v5;
	s18 =	spop (drf)  }
0x198: {  	v3 =	vsel vm15, s19, v3;
	v5 =	vsel vm13, s18, v5;
	s20 =	spop (drf)  }
0x199: {  	v3 =	vmul.u32 v4, v3;
	v63 =	vsel vm14, s20, v5;
	s22 =	spop (drf)  }
0x19a: {  	v4 =	vsel vm15, s22, v63  }
0x19b: {  	v3 =	vadd.s32 v4, v3  }
0x19c: {  	(v2sf) =	vpush v3, $0xE  }
0x19d: {  	(v2sf) =	vpush v3, $0xD  }
0x19e: {  	(v2sf) =	vpush v3, $0xC  }
0x19f: {  	(v2sf) =	vpush v3, $0xB  }
0x1a0: {  	(v2sf) =	vpush v3, $0xA  }
0x1a1: {  	(v2sf) =	vpush v3, $0x9  }
0x1a2: {  	(v2sf) =	vpush v3, $0xF  }
0x1a3: {  	(v2sf) =	vpush v3, $0x0  }
0x1a4: {  	(v2sf) =	vpush v3, $0x1  }
0x1a5: {  	(v2sf) =	vpush v3, $0x2  }
0x1a6: {  	(v2sf) =	vpush v3, $0x3  }
0x1a7: {  	(v2sf) =	vpush v3, $0x4;
	_ =	sdelay $0x1  }
0x1a8: {  	(v2sf) =	vpush v3, $0x5  }
0x1a9: {  	(v2sf) =	vpush v3, $0x6  }
0x1aa: {  	(v2sf) =	vpush v3, $0x7;
	s0 =	spop (v2sf)  }
0x1ab: {  	(v2sf) =	vpush v3, $0x8;
	s2 =	spop (v2sf)  }
0x1ac: {  	s3 =	spop (v2sf)  }
0x1ad: {  	s4 =	spop (v2sf)  }
0x1ae: {  	s5 =	spop (v2sf)  }
0x1af: {  	s6 =	spop (v2sf)  }
0x1b0: {  	s1 =	spop (v2sf)  }
0x1b1: {  	(drf) =	srem.u32 s1, s11;
	s11 =	spop (v2sf)  }
0x1b2: {  	(drf) =	srem.u32 s11, s17;
	s15 =	spop (v2sf)  }
0x1b3: {  	(drf) =	srem.u32 s15, s14;
	s16 =	spop (v2sf)  }
0x1b4: {  	(drf) =	srem.u32 s16, s12;
	s17 =	spop (v2sf)  }
0x1b5: {  	(drf) =	srem.u32 s17, s30;
	s18 =	spop (v2sf)  }
0x1b6: {  	(drf) =	srem.u32 s18, s21  }
0x1b7: {  	s19 =	spop (v2sf);
	s21 =	rddreg [dreg:$0x3]  }
0x1b8: {  	(drf) =	srem.u32 s19, s13;
	s20 =	spop (v2sf)  }
0x1b9: {  	(drf) =	srem.u32 s20, s21;
	s22 =	spop (v2sf)  }
0x1ba: {  	(drf) =	srem.u32 s22, s24;
	s30 =	spop (v2sf)  }
0x1bb: {  	(drf) =	srem.u32 s30, s31;
	s31 =	spop (drf)  }
0x1bc: {  	(drf) =	srem.u32 s6, s23;
	v3 =	vmov s31;
	s7 =	spop (drf)  }
0x1bd: {  	(drf) =	srem.u32 s5, s10;
	v3 =	vsel vm0, s7, v3;
	s11 =	spop (drf)  }
0x1be: {  	(drf) =	srem.u32 s4, s9;
	v3 =	vsel vm2, s11, v3;
	s12 =	spop (drf)  }
0x1bf: {  	(drf) =	srem.u32 s3, s8;
	v3 =	vsel vm3, s12, v3;
	s13 =	spop (drf)  }
0x1c0: {  	(drf) =	srem.u32 s2, s29;
	v3 =	vsel vm4, s13, v3;
	s14 =	spop (drf)  }
0x1c1: {  	(drf) =	srem.u32 s0, s26;
	v3 =	vsel vm5, s14, v3;
	s15 =	spop (drf)  }
0x1c2: {  	v3 =	vsel vm6, s15, v3;
	s16 =	spop (drf)  }
0x1c3: {  	v3 =	vsel vm7, s16, v3;
	s17 =	spop (drf)  }
0x1c4: {  	v3 =	vsel vm8, s17, v3;
	s18 =	spop (drf)  }
0x1c5: {  	v3 =	vsel vm9, s18, v3;
	s19 =	spop (drf)  }
0x1c6: {  	v3 =	vsel vm10, s19, v3;
	s20 =	spop (drf)  }
0x1c7: {  	v3 =	vsel vm11, s20, v3;
	s21 =	spop (drf)  }
0x1c8: {  	v3 =	vsel vm12, s21, v3;
	s22 =	spop (drf)  }
0x1c9: {  	v3 =	vsel vm13, s22, v3;
	s23 =	spop (drf)  }
0x1ca: {  	v3 =	vsel vm14, s23, v3;
	s24 =	spop (drf)  }
0x1cb: {  	v3 =	vsel vm15, s24, v3;
	_ =	sdelay $0x4  }
0x1cc: {  	v3 =	vld.idx.msk [tilespmem:v3+s28+$0x0], $0xffff;
	_ =	sdelay $0x3  }
0x1cd: {  	s26 =	sld [smem:$0x7FC]  }
0x1ce: {  	s6 =	simm.s32 $0x1;
	v3 =	vpsel p1, $0x0, v3  }
0x1cf: {  	s3 =	simm.s32 $0x400;
	s2 =	simm.s32 $0x80;
	s29 =	simm.s32 $0xC00;
	[tilespmem:s25+$0xC00] =	vst v3  }
0x1d0: {  	[hbm4b:s26+s2] =	stream.strided.scatter [tilespmem:s29], [sflag:$0x1], $0x200, s3, s2, $0x38;
	[tilespmem:$0xE00] =	vst v63  }
0x1d1: {  	_ =	swait.ge [sflag:s6], $0x200  }
0x1d2: {  	s30 =	sld [smem:$0x7FB]  }
0x1d3: {  	s31 =	sld [smem:$0x7FD];
	_ =	sdelay $0x1  }
0x1d4: {  	s1 =	sadd.s32 $0x1, s30  }
0x1d5: {  	p1 =	sne.s32 s1, s31  }
.Ltmp2:
0x1d6: {  	_ = 	snop;
	(pc) =	sbr.rel @p1 .LBB2_1-.Ltmp2, $3  }
0x1d7: {  	_ =	sdelay $0x1  }
0x1d8: {  	[sflag:s6] =	ssyncset.done $0x0  }
0x1d9: {  	[sflag:s6] =	ssyncadd.s32 $0xFFFFFE00  }
0x1da: {  	_ =	sfence.sel $0x180000  }
0x1db: {  	[bflag:$0x0] =	sbarrier.arrive $0xFFFF  }
0x1dc: {  	_ =	strace $0x90000047  }
0x1dd: {  	s0 =	stileid.u32;
	[bflag:$0x2] =	sbarrier.arrive $0xFFFF  }
0x1de: {  	p0 =	sne.s32 s0, $0x0;
	s0 =	rddreg [dreg:$0x1]  }
0x1df: {  	s0 =	sadd.s32 @!p0 $0x100000, s0  }
0x1e0: {  	[sflag:s0] =	ssyncadd.tile.s32 @!p0 $0x1;
	_ =	shalt  }
.Lfunc_end2:
_tile_overlayer_lowered:
.L_overlay_start_2:
0x1e1: {  	(tag) =	ssettag $0x2  }
0x1e2: {  	s0 =	rddreg [dreg:$0x0];
	s2 =	stileid.u32  }
0x1e3: {  	s1 =	rddreg [dreg:$0x1];
	p0 =	sne.s32 s2, $0x0  }
0x1e4: {  	s3 =	rddreg [dreg:$0x2];
	[bflag:$0x3] =	sbarrier.arrive $0xFFFF;
	s2 =	simm.s32 @!p0 $0x1C01  }
0x1e5: {  	[timem:s3], [sflag:s2] =	dma.local @!p0 [hbm:s0], s1  }
0x1e6: {  	s0 =	simm.s32 @!p0 $0x1  }
0x1e7: {  	_ =	swait.ge @!p0 [sflag:s0], s1  }
0x1e8: {  	s1 =	ssub.s32 @!p0 $0x0, s1;
	[sflag:s0] =	ssyncset.done @!p0 $0x0  }
0x1e9: {  	[sflag:s0] =	ssyncadd.s32 @!p0 s1  }
0x1ea: {  	[bflag:$0x3] =	sbarrier.arrive $0xFFFF  }
0x1eb: {  	_ =	shalt  }

</sc_bundles>
